<compile_context>
chip_gen: v7x
topology: tpu7x:2x2x1
jax: 0.10.2.dev20260603
libtpu: 0.0.44.dev20260713+nightly
codegen_flags: <defaults>
</compile_context>

<pallas_src>
import functools

import jax
import jax.numpy as jnp
from jax import lax
from jax.experimental import pallas as pl
from jax.experimental.pallas import tpu as pltpu
from jax.experimental.pallas import tpu_sc as plsc

B = 4096
F = 26
V = 100000
E = 16
EH = 8
W = 7168
NCH = 15
W13 = 6784
C13 = 13 * W
C14 = C13 + W13
NTASK = F * NCH
KMAX = 25
NVEC = B // 16
BN_EPS = 1e-3

_mesh = plsc.VectorSubcoreMesh(core_axis_name="c", subcore_axis_name="s")


@functools.partial(
    pl.kernel,
    out_type=[
        jax.ShapeDtypeStruct((32, EH, B), jnp.float32),
        jax.ShapeDtypeStruct((32, EH, B), jnp.float32),
    ],
    mesh=_mesh,
    compiler_params=pltpu.CompilerParams(
        use_tc_tiling_on_sc=True, needs_layout_passes=False),
    scratch_types=[
        pltpu.VMEM((EH, W), jnp.float32),
        pltpu.VMEM((B,), jnp.int32),
        pltpu.VMEM((EH, B), jnp.float32),
        pltpu.VMEM((EH, B), jnp.float32),
    ],
)
def _sc_sweep(tab_hbm, tabl_hbm, idxt_hbm, ps_hbm, pq_hbm,
              chunk_v, idx_v, s_v, q_v):
    cid = lax.axis_index("c")
    sid = lax.axis_index("s")
    wid = sid * 2 + cid

    def z(i, _):
        zv = jnp.zeros((16,), jnp.float32)
        for e in range(EH):
            s_v[e, pl.ds(i * 16, 16)] = zv
            q_v[e, pl.ds(i * 16, 16)] = zv
        return 0
    lax.fori_loop(0, NVEC, z, 0)

    def task_body(k, _):
        t = sid + 16 * k

        @pl.when(t < NTASK)
        def _():
            j = t // NCH
            c = lax.rem(t, NCH)
            g = 2 * j + cid
            r0 = pl.multiple_of(g * 8, 8)

            @pl.when(c < 13)
            def _():
                pltpu.sync_copy(
                    tab_hbm.at[pl.ds(r0, 8), pl.ds(pl.multiple_of(c * W, 128), W)],
                    chunk_v)

            @pl.when(c == 13)
            def _():
                pltpu.sync_copy(
                    tab_hbm.at[pl.ds(r0, 8), pl.ds(C13, W13)],
                    chunk_v.at[:, pl.ds(0, W13)])

            @pl.when(c == 14)
            def _():
                pltpu.sync_copy(
                    tabl_hbm.at[pl.ds(r0, 8), :],
                    chunk_v.at[:, pl.ds(0, 128)])

            c0 = jnp.where(c == 14, C14, c * W)
            wc = jnp.where(c == 14, 32, jnp.where(c == 13, W13, W))
            pltpu.sync_copy(idxt_hbm.at[pl.ds(j * B, B)], idx_v)

            def serve(vec, _):
                v = idx_v[pl.ds(vec * 16, 16)]
                vloc = v - c0
                m = (vloc >= 0) & (vloc < wc)
                vc = jnp.where(m, vloc, 0)
                zero16 = jnp.zeros((16,), jnp.float32)
                for e in range(EH):
                    rowi = jnp.full((16,), e, jnp.int32)
                    gv = plsc.load_gather(chunk_v, [rowi, vc])
                    gm = jnp.where(m, gv, zero16)
                    plsc.addupdate(s_v.at[e, pl.ds(vec * 16, 16)], gm)
                    plsc.addupdate(q_v.at[e, pl.ds(vec * 16, 16)], gm * gm)
                return 0
            lax.fori_loop(0, NVEC, serve, 0)
        return 0
    lax.fori_loop(0, KMAX, task_body, 0)

    pltpu.sync_copy(s_v, ps_hbm.at[wid])
    pltpu.sync_copy(q_v, pq_hbm.at[wid])


def _tc1_body(ps_ref, pq_ref, bi_ref, st_ref):
    s = jnp.sum(ps_ref[...], axis=0)
    q = jnp.sum(pq_ref[...], axis=0)
    bi = 0.5 * (s * s - q)
    bi_ref[...] = bi
    s1 = jnp.sum(bi, axis=1).reshape(1, 1, E)
    s2 = jnp.sum(bi * bi, axis=1).reshape(1, 1, E)
    st_ref[...] = jnp.concatenate([s1, s2], axis=1)


def _tc1_call(ps, pq):
    BLK = 512
    g = B // BLK
    return pl.pallas_call(
        _tc1_body,
        grid=(g,),
        in_specs=[
            pl.BlockSpec((16, E, BLK), lambda i: (0, 0, i)),
            pl.BlockSpec((16, E, BLK), lambda i: (0, 0, i)),
        ],
        out_specs=[
            pl.BlockSpec((E, BLK), lambda i: (0, i)),
            pl.BlockSpec((1, 2, E), lambda i: (i, 0, 0)),
        ],
        out_shape=[
            jax.ShapeDtypeStruct((E, B), jnp.float32),
            jax.ShapeDtypeStruct((g, 2, E), jnp.float32),
        ],
    )(ps, pq)


def _tc2_body(bi_ref, ps_ref, pq_ref, g_ref, be_ref,
              w1_ref, b1_ref, w2_ref, b2_ref, w3_ref, b3_ref,
              wo_ref, bo_ref, out_ref):
    mean = jnp.sum(ps_ref[...], axis=0, keepdims=True) * (1.0 / B)
    ex2 = jnp.sum(pq_ref[...], axis=0, keepdims=True) * (1.0 / B)
    var = ex2 - mean * mean
    inv = lax.rsqrt(var + BN_EPS)
    x = (bi_ref[...] - mean) * (inv * g_ref[...]) + be_ref[...]
    x = jnp.maximum(
        jnp.dot(x, w1_ref[...], preferred_element_type=jnp.float32)
        + b1_ref[...], 0.0)
    x = jnp.maximum(
        jnp.dot(x, w2_ref[...], preferred_element_type=jnp.float32)
        + b2_ref[...], 0.0)
    x = jnp.maximum(
        jnp.dot(x, w3_ref[...], preferred_element_type=jnp.float32)
        + b3_ref[...], 0.0)
    y = jnp.dot(x, wo_ref[...], preferred_element_type=jnp.float32) + bo_ref[...]
    out_ref[...] = jax.nn.sigmoid(y)


def _tc2_call(bi_bt, st0, st1, gamma, beta, W1, b1, W2, b2, W3, b3, Wout, bout):
    BLK = 512
    g = B // BLK
    rep = lambda i: (0, 0)
    return pl.pallas_call(
        _tc2_body,
        grid=(g,),
        in_specs=[
            pl.BlockSpec((BLK, E), lambda i: (i, 0)),
            pl.BlockSpec((g, E), rep),
            pl.BlockSpec((g, E), rep),
            pl.BlockSpec((1, E), rep),
            pl.BlockSpec((1, E), rep),
            pl.BlockSpec((E, 256), rep),
            pl.BlockSpec((1, 256), rep),
            pl.BlockSpec((256, 128), rep),
            pl.BlockSpec((1, 128), rep),
            pl.BlockSpec((128, 64), rep),
            pl.BlockSpec((1, 64), rep),
            pl.BlockSpec((64, 1), rep),
            pl.BlockSpec((1, 1), rep),
        ],
        out_specs=pl.BlockSpec((BLK, 1), lambda i: (i, 0)),
        out_shape=jax.ShapeDtypeStruct((B, 1), jnp.float32),
    )(bi_bt, st0, st1, gamma, beta, W1, b1, W2, b2, W3, b3, Wout, bout)


def kernel(inputs, tables, gamma, beta, W1, b1, W2, b2, W3, b3, Wout, bout):
    tab = tables.transpose(0, 2, 1).reshape(F * E, V)
    tabl = jnp.pad(tab[:, C14:], ((0, 0), (0, 96)))
    idxt = inputs.T.reshape(F * B)
    ps, pq = _sc_sweep(tab, tabl, idxt)
    ps16 = ps.reshape(16, E, B)
    pq16 = pq.reshape(16, E, B)
    bi, st = _tc1_call(ps16, pq16)
    return _tc2_call(
        bi.T, st[:, 0, :], st[:, 1, :],
        gamma.reshape(1, E), beta.reshape(1, E),
        W1, b1.reshape(1, -1), W2, b2.reshape(1, -1),
        W3, b3.reshape(1, -1), Wout, bout.reshape(1, 1),
    )

# --- scband reference (transcript-rebuilt; emitter-appended) ---
"""Pipeline reference for scband-nfm-30588757082802 (READ-ONLY COPY).

The authoritative reference and input builder live on the scoring server;
editing this copy changes nothing except your own understanding.
"""

import jax, jax.numpy as jnp
import numpy as np

B = 4096
N_FIELDS = 26
VOCAB = 100000
EMB = 16
HID = [256, 128, 64]
BN_EPS = 1e-3


def setup_inputs(seed: int = 0) -> dict:
    key = jax.random.key(seed)
    ks = jax.random.split(key, 12)
    inputs = jax.random.randint(ks[0], (B, N_FIELDS), 0, VOCAB, dtype=jnp.int32)
    # 26 embedding tables, all same shape -> stacked [F, V, E], init ~ random_normal
    tables = jax.random.normal(ks[1], (N_FIELDS, VOCAB, EMB), dtype=jnp.float32) * 0.05
    gamma = jnp.ones((EMB,), dtype=jnp.float32)
    beta = jnp.zeros((EMB,), dtype=jnp.float32)
    W1 = jax.random.normal(ks[2], (EMB, HID[0]), dtype=jnp.float32) * (2.0 / (EMB + HID[0])) ** 0.5
    b1 = jnp.zeros((HID[0],), dtype=jnp.float32)
    W2 = jax.random.normal(ks[3], (HID[0], HID[1]), dtype=jnp.float32) * (2.0 / (HID[0] + HID[1])) ** 0.5
    b2 = jnp.zeros((HID[1],), dtype=jnp.float32)
    W3 = jax.random.normal(ks[4], (HID[1], HID[2]), dtype=jnp.float32) * (2.0 / (HID[1] + HID[2])) ** 0.5
    b3 = jnp.zeros((HID[2],), dtype=jnp.float32)
    Wout = jax.random.normal(ks[5], (HID[2], 1), dtype=jnp.float32) * (2.0 / (HID[2] + 1)) ** 0.5
    bout = jnp.zeros((1,), dtype=jnp.float32)
    return {
        "inputs": inputs,
        "tables": tables,
        "gamma": gamma,
        "beta": beta,
        "W1": W1, "b1": b1,
        "W2": W2, "b2": b2,
        "W3": W3, "b3": b3,
        "Wout": Wout, "bout": bout,
    }


def reference(inputs, tables, gamma, beta, W1, b1, W2, b2, W3, b3, Wout, bout):
    # per-field embedding lookup: [B, F, E]
    field_idx = jnp.arange(N_FIELDS)[None, :]
    emb = tables[field_idx, inputs]
    # Bi-Interaction pooling: 0.5 * ((sum e)^2 - sum e^2)
    s = jnp.sum(emb, axis=1)
    sq = jnp.sum(emb * emb, axis=1)
    bi = 0.5 * (s * s - sq)
    # BatchNormalization in training mode (bn_use=True -> training=True)
    mean = jnp.mean(bi, axis=0)
    var = jnp.var(bi, axis=0)
    x = (bi - mean) / jnp.sqrt(var + BN_EPS) * gamma + beta
    # MLP with relu (dropout = 0.0)
    x = jax.nn.relu(x @ W1 + b1)
    x = jax.nn.relu(x @ W2 + b2)
    x = jax.nn.relu(x @ W3 + b3)
    out = jax.nn.sigmoid(x @ Wout + bout)
    return out

if __name__ == "__main__":
    import jax
    _d = setup_inputs()
    print(jax.jit(kernel)(*tuple(_d.values())))

</pallas_src>

<mosaic_0001>
#map = affine_map<(d0, d1) -> (0, 0)>
#map1 = affine_map<(d0, d1) -> (0)>
#map2 = affine_map<(d0, d1) -> (0, 0, 0)>
module attributes {stable_mosaic.version = 14 : i64} {
  func.func @_sc_sweep(%arg0: i32, %arg1: i32, %arg2: memref<416x100000xf32, #tpu.memory_space<hbm>>, %arg3: memref<416x128xf32, #tpu.memory_space<hbm>>, %arg4: memref<106496xi32, #tpu.memory_space<hbm>>, %arg5: memref<32x8x4096xf32, #tpu.memory_space<hbm>>, %arg6: memref<32x8x4096xf32, #tpu.memory_space<hbm>>, %arg7: memref<8x7168xf32, #tpu.memory_space<vmem>>, %arg8: memref<4096xi32, #tpu.memory_space<vmem>>, %arg9: memref<8x4096xf32, #tpu.memory_space<vmem>>, %arg10: memref<8x4096xf32, #tpu.memory_space<vmem>>) attributes {dimension_semantics = [#tpu.dimension_semantics<core_parallel>, #tpu.dimension_semantics<subcore_parallel>], iteration_bounds = array<i64: 2, 16>, scalar_prefetch = 0 : i64, scratch_operands = 4 : i64, tpu.core_type = #tpu.core_type<sc_vector_subcore>, window_params = [{transform_indices = #map}, {transform_indices = #map}, {transform_indices = #map1}, {transform_indices = #map2}, {transform_indices = #map2}]} {
    %mul3A = arith.constant 2 : i32
    %mul3A_0 = arith.muli %arg1, %mul3A : i32
    %add3A = arith.addi %mul3A_0, %arg0 : i32
    %scan3A = arith.constant 0 : i32
    %scan3A_1 = arith.constant 0 : i32
    %scan3A_2 = arith.constant 256 : i32
    %scan3A_3 = arith.addi %scan3A_1, %scan3A_2 : i32
    %scan3A_4 = arith.constant 1 : i32
    %scan3A_5 = scf.for %scan3A_14 = %scan3A_1 to %scan3A_3 step %scan3A_4 iter_args(%scan3A_15 = %scan3A) -> (i32)  : i32 {
      %broadcast_in_dim3A = arith.constant 0.000000e+00 : f32
      %broadcast_in_dim3A_16 = vector.broadcast %broadcast_in_dim3A : f32 to vector<16xf32>
      %mul3A_17 = arith.constant 16 : i32
      %mul3A_18 = arith.muli %scan3A_14, %mul3A_17 : i32
      %swap3A = arith.constant 0 : i32
      %swap3A_19 = arith.index_cast %swap3A : i32 to index
      %swap3A_20 = arith.index_cast %mul3A_18 : i32 to index
      %swap3A_21 = tpu.vector_load %arg9[%swap3A_19, %swap3A_20] {strides = array<i32>} : memref<8x4096xf32, #tpu.memory_space<vmem>>, vector<16xf32>,
      tpu.vector_store %arg9[%swap3A_19, %swap3A_20], %broadcast_in_dim3A_16 {strides = array<i32>} : memref<8x4096xf32, #tpu.memory_space<vmem>>, vector<16xf32>,
      %mul3A_22 = arith.constant 16 : i32
      %mul3A_23 = arith.muli %scan3A_14, %mul3A_22 : i32
      %swap3A_24 = arith.constant 0 : i32
      %swap3A_25 = arith.index_cast %swap3A_24 : i32 to index
      %swap3A_26 = arith.index_cast %mul3A_23 : i32 to index
      %swap3A_27 = tpu.vector_load %arg10[%swap3A_25, %swap3A_26] {strides = array<i32>} : memref<8x4096xf32, #tpu.memory_space<vmem>>, vector<16xf32>,
      tpu.vector_store %arg10[%swap3A_25, %swap3A_26], %broadcast_in_dim3A_16 {strides = array<i32>} : memref<8x4096xf32, #tpu.memory_space<vmem>>, vector<16xf32>,
      %mul3A_28 = arith.constant 16 : i32
      %mul3A_29 = arith.muli %scan3A_14, %mul3A_28 : i32
      %swap3A_30 = arith.constant 1 : i32
      %swap3A_31 = arith.index_cast %swap3A_30 : i32 to index
      %swap3A_32 = arith.index_cast %mul3A_29 : i32 to index
      %swap3A_33 = tpu.vector_load %arg9[%swap3A_31, %swap3A_32] {strides = array<i32>} : memref<8x4096xf32, #tpu.memory_space<vmem>>, vector<16xf32>,
      tpu.vector_store %arg9[%swap3A_31, %swap3A_32], %broadcast_in_dim3A_16 {strides = array<i32>} : memref<8x4096xf32, #tpu.memory_space<vmem>>, vector<16xf32>,
      %mul3A_34 = arith.constant 16 : i32
      %mul3A_35 = arith.muli %scan3A_14, %mul3A_34 : i32
      %swap3A_36 = arith.constant 1 : i32
      %swap3A_37 = arith.index_cast %swap3A_36 : i32 to index
      %swap3A_38 = arith.index_cast %mul3A_35 : i32 to index
      %swap3A_39 = tpu.vector_load %arg10[%swap3A_37, %swap3A_38] {strides = array<i32>} : memref<8x4096xf32, #tpu.memory_space<vmem>>, vector<16xf32>,
      tpu.vector_store %arg10[%swap3A_37, %swap3A_38], %broadcast_in_dim3A_16 {strides = array<i32>} : memref<8x4096xf32, #tpu.memory_space<vmem>>, vector<16xf32>,
      %mul3A_40 = arith.constant 16 : i32
      %mul3A_41 = arith.muli %scan3A_14, %mul3A_40 : i32
      %swap3A_42 = arith.constant 2 : i32
      %swap3A_43 = arith.index_cast %swap3A_42 : i32 to index
      %swap3A_44 = arith.index_cast %mul3A_41 : i32 to index
      %swap3A_45 = tpu.vector_load %arg9[%swap3A_43, %swap3A_44] {strides = array<i32>} : memref<8x4096xf32, #tpu.memory_space<vmem>>, vector<16xf32>,
      tpu.vector_store %arg9[%swap3A_43, %swap3A_44], %broadcast_in_dim3A_16 {strides = array<i32>} : memref<8x4096xf32, #tpu.memory_space<vmem>>, vector<16xf32>,
      %mul3A_46 = arith.constant 16 : i32
      %mul3A_47 = arith.muli %scan3A_14, %mul3A_46 : i32
      %swap3A_48 = arith.constant 2 : i32
      %swap3A_49 = arith.index_cast %swap3A_48 : i32 to index
      %swap3A_50 = arith.index_cast %mul3A_47 : i32 to index
      %swap3A_51 = tpu.vector_load %arg10[%swap3A_49, %swap3A_50] {strides = array<i32>} : memref<8x4096xf32, #tpu.memory_space<vmem>>, vector<16xf32>,
      tpu.vector_store %arg10[%swap3A_49, %swap3A_50], %broadcast_in_dim3A_16 {strides = array<i32>} : memref<8x4096xf32, #tpu.memory_space<vmem>>, vector<16xf32>,
      %mul3A_52 = arith.constant 16 : i32
      %mul3A_53 = arith.muli %scan3A_14, %mul3A_52 : i32
      %swap3A_54 = arith.constant 3 : i32
      %swap3A_55 = arith.index_cast %swap3A_54 : i32 to index
      %swap3A_56 = arith.index_cast %mul3A_53 : i32 to index
      %swap3A_57 = tpu.vector_load %arg9[%swap3A_55, %swap3A_56] {strides = array<i32>} : memref<8x4096xf32, #tpu.memory_space<vmem>>, vector<16xf32>,
      tpu.vector_store %arg9[%swap3A_55, %swap3A_56], %broadcast_in_dim3A_16 {strides = array<i32>} : memref<8x4096xf32, #tpu.memory_space<vmem>>, vector<16xf32>,
      %mul3A_58 = arith.constant 16 : i32
      %mul3A_59 = arith.muli %scan3A_14, %mul3A_58 : i32
      %swap3A_60 = arith.constant 3 : i32
      %swap3A_61 = arith.index_cast %swap3A_60 : i32 to index
      %swap3A_62 = arith.index_cast %mul3A_59 : i32 to index
      %swap3A_63 = tpu.vector_load %arg10[%swap3A_61, %swap3A_62] {strides = array<i32>} : memref<8x4096xf32, #tpu.memory_space<vmem>>, vector<16xf32>,
      tpu.vector_store %arg10[%swap3A_61, %swap3A_62], %broadcast_in_dim3A_16 {strides = array<i32>} : memref<8x4096xf32, #tpu.memory_space<vmem>>, vector<16xf32>,
      %mul3A_64 = arith.constant 16 : i32
      %mul3A_65 = arith.muli %scan3A_14, %mul3A_64 : i32
      %swap3A_66 = arith.constant 4 : i32
      %swap3A_67 = arith.index_cast %swap3A_66 : i32 to index
      %swap3A_68 = arith.index_cast %mul3A_65 : i32 to index
      %swap3A_69 = tpu.vector_load %arg9[%swap3A_67, %swap3A_68] {strides = array<i32>} : memref<8x4096xf32, #tpu.memory_space<vmem>>, vector<16xf32>,
      tpu.vector_store %arg9[%swap3A_67, %swap3A_68], %broadcast_in_dim3A_16 {strides = array<i32>} : memref<8x4096xf32, #tpu.memory_space<vmem>>, vector<16xf32>,
      %mul3A_70 = arith.constant 16 : i32
      %mul3A_71 = arith.muli %scan3A_14, %mul3A_70 : i32
      %swap3A_72 = arith.constant 4 : i32
      %swap3A_73 = arith.index_cast %swap3A_72 : i32 to index
      %swap3A_74 = arith.index_cast %mul3A_71 : i32 to index
      %swap3A_75 = tpu.vector_load %arg10[%swap3A_73, %swap3A_74] {strides = array<i32>} : memref<8x4096xf32, #tpu.memory_space<vmem>>, vector<16xf32>,
      tpu.vector_store %arg10[%swap3A_73, %swap3A_74], %broadcast_in_dim3A_16 {strides = array<i32>} : memref<8x4096xf32, #tpu.memory_space<vmem>>, vector<16xf32>,
      %mul3A_76 = arith.constant 16 : i32
      %mul3A_77 = arith.muli %scan3A_14, %mul3A_76 : i32
      %swap3A_78 = arith.constant 5 : i32
      %swap3A_79 = arith.index_cast %swap3A_78 : i32 to index
      %swap3A_80 = arith.index_cast %mul3A_77 : i32 to index
      %swap3A_81 = tpu.vector_load %arg9[%swap3A_79, %swap3A_80] {strides = array<i32>} : memref<8x4096xf32, #tpu.memory_space<vmem>>, vector<16xf32>,
      tpu.vector_store %arg9[%swap3A_79, %swap3A_80], %broadcast_in_dim3A_16 {strides = array<i32>} : memref<8x4096xf32, #tpu.memory_space<vmem>>, vector<16xf32>,
      %mul3A_82 = arith.constant 16 : i32
      %mul3A_83 = arith.muli %scan3A_14, %mul3A_82 : i32
      %swap3A_84 = arith.constant 5 : i32
      %swap3A_85 = arith.index_cast %swap3A_84 : i32 to index
      %swap3A_86 = arith.index_cast %mul3A_83 : i32 to index
      %swap3A_87 = tpu.vector_load %arg10[%swap3A_85, %swap3A_86] {strides = array<i32>} : memref<8x4096xf32, #tpu.memory_space<vmem>>, vector<16xf32>,
      tpu.vector_store %arg10[%swap3A_85, %swap3A_86], %broadcast_in_dim3A_16 {strides = array<i32>} : memref<8x4096xf32, #tpu.memory_space<vmem>>, vector<16xf32>,
      %mul3A_88 = arith.constant 16 : i32
      %mul3A_89 = arith.muli %scan3A_14, %mul3A_88 : i32
      %swap3A_90 = arith.constant 6 : i32
      %swap3A_91 = arith.index_cast %swap3A_90 : i32 to index
      %swap3A_92 = arith.index_cast %mul3A_89 : i32 to index
      %swap3A_93 = tpu.vector_load %arg9[%swap3A_91, %swap3A_92] {strides = array<i32>} : memref<8x4096xf32, #tpu.memory_space<vmem>>, vector<16xf32>,
      tpu.vector_store %arg9[%swap3A_91, %swap3A_92], %broadcast_in_dim3A_16 {strides = array<i32>} : memref<8x4096xf32, #tpu.memory_space<vmem>>, vector<16xf32>,
      %mul3A_94 = arith.constant 16 : i32
      %mul3A_95 = arith.muli %scan3A_14, %mul3A_94 : i32
      %swap3A_96 = arith.constant 6 : i32
      %swap3A_97 = arith.index_cast %swap3A_96 : i32 to index
      %swap3A_98 = arith.index_cast %mul3A_95 : i32 to index
      %swap3A_99 = tpu.vector_load %arg10[%swap3A_97, %swap3A_98] {strides = array<i32>} : memref<8x4096xf32, #tpu.memory_space<vmem>>, vector<16xf32>,
      tpu.vector_store %arg10[%swap3A_97, %swap3A_98], %broadcast_in_dim3A_16 {strides = array<i32>} : memref<8x4096xf32, #tpu.memory_space<vmem>>, vector<16xf32>,
      %mul3A_100 = arith.constant 16 : i32
      %mul3A_101 = arith.muli %scan3A_14, %mul3A_100 : i32
      %swap3A_102 = arith.constant 7 : i32
      %swap3A_103 = arith.index_cast %swap3A_102 : i32 to index
      %swap3A_104 = arith.index_cast %mul3A_101 : i32 to index
      %swap3A_105 = tpu.vector_load %arg9[%swap3A_103, %swap3A_104] {strides = array<i32>} : memref<8x4096xf32, #tpu.memory_space<vmem>>, vector<16xf32>,
      tpu.vector_store %arg9[%swap3A_103, %swap3A_104], %broadcast_in_dim3A_16 {strides = array<i32>} : memref<8x4096xf32, #tpu.memory_space<vmem>>, vector<16xf32>,
      %mul3A_106 = arith.constant 16 : i32
      %mul3A_107 = arith.muli %scan3A_14, %mul3A_106 : i32
      %swap3A_108 = arith.constant 7 : i32
      %swap3A_109 = arith.index_cast %swap3A_108 : i32 to index
      %swap3A_110 = arith.index_cast %mul3A_107 : i32 to index
      %swap3A_111 = tpu.vector_load %arg10[%swap3A_109, %swap3A_110] {strides = array<i32>} : memref<8x4096xf32, #tpu.memory_space<vmem>>, vector<16xf32>,
      tpu.vector_store %arg10[%swap3A_109, %swap3A_110], %broadcast_in_dim3A_16 {strides = array<i32>} : memref<8x4096xf32, #tpu.memory_space<vmem>>, vector<16xf32>,
      %scan3A_112 = arith.constant 0 : i32
      scf.yield %scan3A_112 : i32
    }
    %scan3A_6 = arith.constant 256 : i32
    %scan3A_7 = arith.constant 0 : i32
    %scan3A_8 = arith.constant 0 : i32
    %scan3A_9 = arith.constant 25 : i32
    %scan3A_10 = arith.addi %scan3A_8, %scan3A_9 : i32
    %scan3A_11 = arith.constant 1 : i32
    %scan3A_12 = scf.for %scan3A_14 = %scan3A_8 to %scan3A_10 step %scan3A_11 iter_args(%scan3A_15 = %scan3A_7) -> (i32)  : i32 {
      %mul3A_16 = arith.constant 16 : i32
      %mul3A_17 = arith.muli %mul3A_16, %scan3A_14 : i32
      %add3A_18 = arith.addi %arg1, %mul3A_17 : i32
      %lt3A = arith.constant 390 : i32
      %lt3A_19 = arith.cmpi slt, %add3A_18, %lt3A : i32
      %convert_element_type3A = arith.extui %lt3A_19 : i1 to i32
      %cond3A = arith.constant 0 : i32
      %cond3A_20 = arith.cmpi ne, %convert_element_type3A, %cond3A : i32
      scf.if %cond3A_20 {
        %jit3A = arith.constant 15 : i32
        %div3A = arith.divsi %add3A_18, %jit3A : i32
        %sign3A = arith.constant 0 : i32
        %sign3A_22 = arith.cmpi sgt, %add3A_18, %sign3A : i32
        %sign3A_23 = arith.extui %sign3A_22 : i1 to i32
        %sign3A_24 = arith.constant 0 : i32
        %sign3A_25 = arith.cmpi slt, %add3A_18, %sign3A_24 : i32
        %sign3A_26 = arith.extui %sign3A_25 : i1 to i32
        %sign3A_27 = arith.subi %sign3A_23, %sign3A_26 : i32
        %sign3A_28 = arith.constant 0 : i32
        %sign3A_29 = arith.cmpi sgt, %jit3A, %sign3A_28 : i32
        %sign3A_30 = arith.extui %sign3A_29 : i1 to i32
        %sign3A_31 = arith.constant 0 : i32
        %sign3A_32 = arith.cmpi slt, %jit3A, %sign3A_31 : i32
        %sign3A_33 = arith.extui %sign3A_32 : i1 to i32
        %sign3A_34 = arith.subi %sign3A_30, %sign3A_33 : i32
        %ne3A = arith.cmpi ne, %sign3A_27, %sign3A_34 : i32
        %rem3A = arith.remsi %add3A_18, %jit3A : i32
        %ne3A_35 = arith.constant 0 : i32
        %ne3A_36 = arith.cmpi ne, %rem3A, %ne3A_35 : i32
        %and3A = arith.andi %ne3A, %ne3A_36 : i1
        %sub3A = arith.constant 1 : i32
        %sub3A_37 = arith.subi %div3A, %sub3A : i32
        %select_n3A = arith.select %and3A, %sub3A_37, %div3A : i32
        %rem3A_38 = arith.constant 15 : i32
        %rem3A_39 = arith.remsi %add3A_18, %rem3A_38 : i32
        %mul3A_40 = arith.constant 2 : i32
        %mul3A_41 = arith.muli %mul3A_40, %select_n3A : i32
        %add3A_42 = arith.addi %mul3A_41, %arg0 : i32
        %mul3A_43 = arith.constant 8 : i32
        %mul3A_44 = arith.muli %add3A_42, %mul3A_43 : i32
        %multiple_of3A = tpu.assume_multiple %mul3A_44, 8 : i32
        %lt3A_45 = arith.constant 13 : i32
        %lt3A_46 = arith.cmpi slt, %rem3A_39, %lt3A_45 : i32
        %convert_element_type3A_47 = arith.extui %lt3A_46 : i1 to i32
        %cond3A_48 = arith.constant 0 : i32
        %cond3A_49 = arith.cmpi ne, %convert_element_type3A_47, %cond3A_48 : i32
        scf.if %cond3A_49 {
          %mul3A_83 = arith.constant 7168 : i32
          %mul3A_84 = arith.muli %rem3A_39, %mul3A_83 : i32
          %multiple_of3A_85 = tpu.assume_multiple %mul3A_84, 128 : i32
          "tpu.region"() ({
            %run_scoped3A = tpu.sem_alloc : memref<!tpu.dma_semaphore, #tpu.memory_space<semaphore_mem>>
            %dma_start3A = tpu.memref_slice %arg2[%multiple_of3A, %multiple_of3A_85] : memref<416x100000xf32, #tpu.memory_space<hbm>> -> memref<8x7168xf32, #tpu.memory_space<hbm>>
            %dma_start3A_86 = tpu.memref_slice %arg2[%multiple_of3A, %multiple_of3A_85] : memref<416x100000xf32, #tpu.memory_space<hbm>> -> memref<8x7168xf32, #tpu.memory_space<hbm>>
            tpu.enqueue_dma source(%dma_start3A_86 : memref<8x7168xf32, #tpu.memory_space<hbm>>) target(%arg7 : memref<8x7168xf32, #tpu.memory_space<vmem>>) target_semaphore(%run_scoped3A : memref<!tpu.dma_semaphore, #tpu.memory_space<semaphore_mem>>)
            %dma_wait3A = tpu.memref_slice %arg2[%multiple_of3A, %multiple_of3A_85] : memref<416x100000xf32, #tpu.memory_space<hbm>> -> memref<8x7168xf32, #tpu.memory_space<hbm>>
            %dma_wait3A_87 = tpu.memref_slice %arg2[%multiple_of3A, %multiple_of3A_85] : memref<416x100000xf32, #tpu.memory_space<hbm>> -> memref<8x7168xf32, #tpu.memory_space<hbm>>
            tpu.wait_dma2 semaphore(%run_scoped3A : memref<!tpu.dma_semaphore, #tpu.memory_space<semaphore_mem>>) src(%dma_wait3A_87 : memref<8x7168xf32, #tpu.memory_space<hbm>>) dst(%arg7 : memref<8x7168xf32, #tpu.memory_space<vmem>>)
            tpu.yield
          }) : () -> ()
        } else {
        }
        %eq3A = arith.constant 13 : i32
        %eq3A_50 = arith.cmpi eq, %rem3A_39, %eq3A : i32
        %convert_element_type3A_51 = arith.extui %eq3A_50 : i1 to i32
        %cond3A_52 = arith.constant 0 : i32
        %cond3A_53 = arith.cmpi ne, %convert_element_type3A_51, %cond3A_52 : i32
        scf.if %cond3A_53 {
          "tpu.region"() ({
            %run_scoped3A = tpu.sem_alloc : memref<!tpu.dma_semaphore, #tpu.memory_space<semaphore_mem>>
            %dma_start3A = arith.constant 0 : i32
            %dma_start3A_83 = arith.constant 0 : i32
            %dma_start3A_84 = tpu.memref_slice %arg7[%dma_start3A, %dma_start3A_83] : memref<8x7168xf32, #tpu.memory_space<vmem>> -> memref<8x6784xf32, #tpu.memory_space<vmem>>
            %dma_start3A_85 = arith.constant 93184 : i32
            %dma_start3A_86 = tpu.memref_slice %arg2[%multiple_of3A, %dma_start3A_85] : memref<416x100000xf32, #tpu.memory_space<hbm>> -> memref<8x6784xf32, #tpu.memory_space<hbm>>
            %dma_start3A_87 = arith.constant 0 : i32
            %dma_start3A_88 = arith.constant 0 : i32
            %dma_start3A_89 = tpu.memref_slice %arg7[%dma_start3A_87, %dma_start3A_88] : memref<8x7168xf32, #tpu.memory_space<vmem>> -> memref<8x6784xf32, #tpu.memory_space<vmem>>
            %dma_start3A_90 = arith.constant 93184 : i32
            %dma_start3A_91 = tpu.memref_slice %arg2[%multiple_of3A, %dma_start3A_90] : memref<416x100000xf32, #tpu.memory_space<hbm>> -> memref<8x6784xf32, #tpu.memory_space<hbm>>
            tpu.enqueue_dma source(%dma_start3A_91 : memref<8x6784xf32, #tpu.memory_space<hbm>>) target(%dma_start3A_89 : memref<8x6784xf32, #tpu.memory_space<vmem>>) target_semaphore(%run_scoped3A : memref<!tpu.dma_semaphore, #tpu.memory_space<semaphore_mem>>)
            %dma_wait3A = arith.constant 0 : i32
            %dma_wait3A_92 = arith.constant 0 : i32
            %dma_wait3A_93 = tpu.memref_slice %arg7[%dma_wait3A, %dma_wait3A_92] : memref<8x7168xf32, #tpu.memory_space<vmem>> -> memref<8x6784xf32, #tpu.memory_space<vmem>>
            %dma_wait3A_94 = arith.constant 93184 : i32
            %dma_wait3A_95 = tpu.memref_slice %arg2[%multiple_of3A, %dma_wait3A_94] : memref<416x100000xf32, #tpu.memory_space<hbm>> -> memref<8x6784xf32, #tpu.memory_space<hbm>>
            %dma_wait3A_96 = arith.constant 0 : i32
            %dma_wait3A_97 = arith.constant 0 : i32
            %dma_wait3A_98 = tpu.memref_slice %arg7[%dma_wait3A_96, %dma_wait3A_97] : memref<8x7168xf32, #tpu.memory_space<vmem>> -> memref<8x6784xf32, #tpu.memory_space<vmem>>
            %dma_wait3A_99 = arith.constant 93184 : i32
            %dma_wait3A_100 = tpu.memref_slice %arg2[%multiple_of3A, %dma_wait3A_99] : memref<416x100000xf32, #tpu.memory_space<hbm>> -> memref<8x6784xf32, #tpu.memory_space<hbm>>
            tpu.wait_dma2 semaphore(%run_scoped3A : memref<!tpu.dma_semaphore, #tpu.memory_space<semaphore_mem>>) src(%dma_wait3A_100 : memref<8x6784xf32, #tpu.memory_space<hbm>>) dst(%dma_wait3A_98 : memref<8x6784xf32, #tpu.memory_space<vmem>>)
            tpu.yield
          }) : () -> ()
        } else {
        }
        %eq3A_54 = arith.constant 14 : i32
        %eq3A_55 = arith.cmpi eq, %rem3A_39, %eq3A_54 : i32
        %convert_element_type3A_56 = arith.extui %eq3A_55 : i1 to i32
        %cond3A_57 = arith.constant 0 : i32
        %cond3A_58 = arith.cmpi ne, %convert_element_type3A_56, %cond3A_57 : i32
        scf.if %cond3A_58 {
          "tpu.region"() ({
            %run_scoped3A = tpu.sem_alloc : memref<!tpu.dma_semaphore, #tpu.memory_space<semaphore_mem>>
            %dma_start3A = arith.constant 0 : i32
            %dma_start3A_83 = arith.constant 0 : i32
            %dma_start3A_84 = tpu.memref_slice %arg7[%dma_start3A, %dma_start3A_83] : memref<8x7168xf32, #tpu.memory_space<vmem>> -> memref<8x128xf32, #tpu.memory_space<vmem>>
            %dma_start3A_85 = arith.constant 0 : i32
            %dma_start3A_86 = tpu.memref_slice %arg3[%multiple_of3A, %dma_start3A_85] : memref<416x128xf32, #tpu.memory_space<hbm>> -> memref<8x128xf32, #tpu.memory_space<hbm>>
            %dma_start3A_87 = arith.constant 0 : i32
            %dma_start3A_88 = arith.constant 0 : i32
            %dma_start3A_89 = tpu.memref_slice %arg7[%dma_start3A_87, %dma_start3A_88] : memref<8x7168xf32, #tpu.memory_space<vmem>> -> memref<8x128xf32, #tpu.memory_space<vmem>>
            %dma_start3A_90 = arith.constant 0 : i32
            %dma_start3A_91 = tpu.memref_slice %arg3[%multiple_of3A, %dma_start3A_90] : memref<416x128xf32, #tpu.memory_space<hbm>> -> memref<8x128xf32, #tpu.memory_space<hbm>>
            tpu.enqueue_dma source(%dma_start3A_91 : memref<8x128xf32, #tpu.memory_space<hbm>>) target(%dma_start3A_89 : memref<8x128xf32, #tpu.memory_space<vmem>>) target_semaphore(%run_scoped3A : memref<!tpu.dma_semaphore, #tpu.memory_space<semaphore_mem>>)
            %dma_wait3A = arith.constant 0 : i32
            %dma_wait3A_92 = arith.constant 0 : i32
            %dma_wait3A_93 = tpu.memref_slice %arg7[%dma_wait3A, %dma_wait3A_92] : memref<8x7168xf32, #tpu.memory_space<vmem>> -> memref<8x128xf32, #tpu.memory_space<vmem>>
            %dma_wait3A_94 = arith.constant 0 : i32
            %dma_wait3A_95 = tpu.memref_slice %arg3[%multiple_of3A, %dma_wait3A_94] : memref<416x128xf32, #tpu.memory_space<hbm>> -> memref<8x128xf32, #tpu.memory_space<hbm>>
            %dma_wait3A_96 = arith.constant 0 : i32
            %dma_wait3A_97 = arith.constant 0 : i32
            %dma_wait3A_98 = tpu.memref_slice %arg7[%dma_wait3A_96, %dma_wait3A_97] : memref<8x7168xf32, #tpu.memory_space<vmem>> -> memref<8x128xf32, #tpu.memory_space<vmem>>
            %dma_wait3A_99 = arith.constant 0 : i32
            %dma_wait3A_100 = tpu.memref_slice %arg3[%multiple_of3A, %dma_wait3A_99] : memref<416x128xf32, #tpu.memory_space<hbm>> -> memref<8x128xf32, #tpu.memory_space<hbm>>
            tpu.wait_dma2 semaphore(%run_scoped3A : memref<!tpu.dma_semaphore, #tpu.memory_space<semaphore_mem>>) src(%dma_wait3A_100 : memref<8x128xf32, #tpu.memory_space<hbm>>) dst(%dma_wait3A_98 : memref<8x128xf32, #tpu.memory_space<vmem>>)
            tpu.yield
          }) : () -> ()
        } else {
        }
        %eq3A_59 = arith.constant 14 : i32
        %eq3A_60 = arith.cmpi eq, %rem3A_39, %eq3A_59 : i32
        %mul3A_61 = arith.constant 7168 : i32
        %mul3A_62 = arith.muli %rem3A_39, %mul3A_61 : i32
        %jit3A_63 = arith.constant 99968 : i32
        %select_n3A_64 = arith.select %eq3A_60, %jit3A_63, %mul3A_62 : i32
        %eq3A_65 = arith.constant 14 : i32
        %eq3A_66 = arith.cmpi eq, %rem3A_39, %eq3A_65 : i32
        %eq3A_67 = arith.constant 13 : i32
        %eq3A_68 = arith.cmpi eq, %rem3A_39, %eq3A_67 : i32
        %jit3A_69 = arith.constant 6784 : i32
        %jit3A_70 = arith.constant 7168 : i32
        %select_n3A_71 = arith.select %eq3A_68, %jit3A_69, %jit3A_70 : i32
        %jit3A_72 = arith.constant 32 : i32
        %select_n3A_73 = arith.select %eq3A_66, %jit3A_72, %select_n3A_71 : i32
        %mul3A_74 = arith.constant 4096 : i32
        %mul3A_75 = arith.muli %select_n3A, %mul3A_74 : i32
        "tpu.region"() ({
          %run_scoped3A = tpu.sem_alloc : memref<!tpu.dma_semaphore, #tpu.memory_space<semaphore_mem>>
          %dma_start3A = tpu.memref_slice %arg4[%mul3A_75] : memref<106496xi32, #tpu.memory_space<hbm>> -> memref<4096xi32, #tpu.memory_space<hbm>>
          %dma_start3A_83 = tpu.memref_slice %arg4[%mul3A_75] : memref<106496xi32, #tpu.memory_space<hbm>> -> memref<4096xi32, #tpu.memory_space<hbm>>
          tpu.enqueue_dma source(%dma_start3A_83 : memref<4096xi32, #tpu.memory_space<hbm>>) target(%arg8 : memref<4096xi32, #tpu.memory_space<vmem>>) target_semaphore(%run_scoped3A : memref<!tpu.dma_semaphore, #tpu.memory_space<semaphore_mem>>)
          %dma_wait3A = tpu.memref_slice %arg4[%mul3A_75] : memref<106496xi32, #tpu.memory_space<hbm>> -> memref<4096xi32, #tpu.memory_space<hbm>>
          %dma_wait3A_84 = tpu.memref_slice %arg4[%mul3A_75] : memref<106496xi32, #tpu.memory_space<hbm>> -> memref<4096xi32, #tpu.memory_space<hbm>>
          tpu.wait_dma2 semaphore(%run_scoped3A : memref<!tpu.dma_semaphore, #tpu.memory_space<semaphore_mem>>) src(%dma_wait3A_84 : memref<4096xi32, #tpu.memory_space<hbm>>) dst(%arg8 : memref<4096xi32, #tpu.memory_space<vmem>>)
          tpu.yield
        }) : () -> ()
        %scan3A_76 = arith.constant 0 : i32
        %scan3A_77 = arith.constant 0 : i32
        %scan3A_78 = arith.constant 256 : i32
        %scan3A_79 = arith.addi %scan3A_77, %scan3A_78 : i32
        %scan3A_80 = arith.constant 1 : i32
        %scan3A_81 = scf.for %scan3A_83 = %scan3A_77 to %scan3A_79 step %scan3A_80 iter_args(%scan3A_84 = %scan3A_76) -> (i32)  : i32 {
          %mul3A_85 = arith.constant 16 : i32
          %mul3A_86 = arith.muli %scan3A_83, %mul3A_85 : i32
          %get3A = arith.index_cast %mul3A_86 : i32 to index
          %get3A_87 = tpu.vector_load %arg8[%get3A] {strides = array<i32>} : memref<4096xi32, #tpu.memory_space<vmem>>, vector<16xi32>,
          %sub3A_88 = vector.broadcast %select_n3A_64 : i32 to vector<16xi32>
          %sub3A_89 = arith.subi %get3A_87, %sub3A_88 : vector<16xi32>
          %ge3A = arith.constant 0 : i32
          %ge3A_90 = vector.broadcast %ge3A : i32 to vector<16xi32>
          %ge3A_91 = arith.cmpi sge, %sub3A_89, %ge3A_90 : vector<16xi32>
          %lt3A_92 = vector.broadcast %select_n3A_73 : i32 to vector<16xi32>
          %lt3A_93 = arith.cmpi slt, %sub3A_89, %lt3A_92 : vector<16xi32>
          %and3A_94 = arith.andi %ge3A_91, %lt3A_93 : vector<16xi1>
          %jit3A_95 = arith.constant 0 : i32
          %broadcast_in_dim3A = vector.broadcast %jit3A_95 : i32 to vector<16xi32>
          %select_n3A_96 = arith.select %and3A_94, %sub3A_89, %broadcast_in_dim3A : vector<16xi1>, vector<16xi32>
          %broadcast_in_dim3A_97 = arith.constant 0.000000e+00 : f32
          %broadcast_in_dim3A_98 = vector.broadcast %broadcast_in_dim3A_97 : f32 to vector<16xf32>
          %broadcast_in_dim3A_99 = arith.constant 0 : i32
          %broadcast_in_dim3A_100 = vector.broadcast %broadcast_in_dim3A_99 : i32 to vector<16xi32>
          %gather3A = tpu.vector_load_idx %arg7[%broadcast_in_dim3A_100, %select_n3A_96] : memref<8x7168xf32, #tpu.memory_space<vmem>>[vector<16xi32>, vector<16xi32>], vector<16xf32>,
          %select_n3A_101 = arith.select %and3A_94, %gather3A, %broadcast_in_dim3A_98 : vector<16xi1>, vector<16xf32>
          %mul3A_102 = arith.constant 16 : i32
          %mul3A_103 = arith.muli %scan3A_83, %mul3A_102 : i32
          %swap3A = arith.constant 0 : i32
          %swap3A_104 = arith.index_cast %swap3A : i32 to index
          %swap3A_105 = arith.index_cast %mul3A_103 : i32 to index
          %swap3A_106 = tpu.vector_load %arg9[%swap3A_104, %swap3A_105] {strides = array<i32>} : memref<8x4096xf32, #tpu.memory_space<vmem>>, vector<16xf32>,
          tpu.vector_store %arg9[%swap3A_104, %swap3A_105], %select_n3A_101 {add = true, strides = array<i32>} : memref<8x4096xf32, #tpu.memory_space<vmem>>, vector<16xf32>,
          %mul3A_107 = arith.constant 16 : i32
          %mul3A_108 = arith.muli %scan3A_83, %mul3A_107 : i32
          %mul3A_109 = arith.mulf %select_n3A_101, %select_n3A_101 : vector<16xf32>
          %swap3A_110 = arith.constant 0 : i32
          %swap3A_111 = arith.index_cast %swap3A_110 : i32 to index
          %swap3A_112 = arith.index_cast %mul3A_108 : i32 to index
          %swap3A_113 = tpu.vector_load %arg10[%swap3A_111, %swap3A_112] {strides = array<i32>} : memref<8x4096xf32, #tpu.memory_space<vmem>>, vector<16xf32>,
          tpu.vector_store %arg10[%swap3A_111, %swap3A_112], %mul3A_109 {add = true, strides = array<i32>} : memref<8x4096xf32, #tpu.memory_space<vmem>>, vector<16xf32>,
          %broadcast_in_dim3A_114 = arith.constant 1 : i32
          %broadcast_in_dim3A_115 = vector.broadcast %broadcast_in_dim3A_114 : i32 to vector<16xi32>
          %gather3A_116 = tpu.vector_load_idx %arg7[%broadcast_in_dim3A_115, %select_n3A_96] : memref<8x7168xf32, #tpu.memory_space<vmem>>[vector<16xi32>, vector<16xi32>], vector<16xf32>,
          %select_n3A_117 = arith.select %and3A_94, %gather3A_116, %broadcast_in_dim3A_98 : vector<16xi1>, vector<16xf32>
          %mul3A_118 = arith.constant 16 : i32
          %mul3A_119 = arith.muli %scan3A_83, %mul3A_118 : i32
          %swap3A_120 = arith.constant 1 : i32
          %swap3A_121 = arith.index_cast %swap3A_120 : i32 to index
          %swap3A_122 = arith.index_cast %mul3A_119 : i32 to index
          %swap3A_123 = tpu.vector_load %arg9[%swap3A_121, %swap3A_122] {strides = array<i32>} : memref<8x4096xf32, #tpu.memory_space<vmem>>, vector<16xf32>,
          tpu.vector_store %arg9[%swap3A_121, %swap3A_122], %select_n3A_117 {add = true, strides = array<i32>} : memref<8x4096xf32, #tpu.memory_space<vmem>>, vector<16xf32>,
          %mul3A_124 = arith.constant 16 : i32
          %mul3A_125 = arith.muli %scan3A_83, %mul3A_124 : i32
          %mul3A_126 = arith.mulf %select_n3A_117, %select_n3A_117 : vector<16xf32>
          %swap3A_127 = arith.constant 1 : i32
          %swap3A_128 = arith.index_cast %swap3A_127 : i32 to index
          %swap3A_129 = arith.index_cast %mul3A_125 : i32 to index
          %swap3A_130 = tpu.vector_load %arg10[%swap3A_128, %swap3A_129] {strides = array<i32>} : memref<8x4096xf32, #tpu.memory_space<vmem>>, vector<16xf32>,
          tpu.vector_store %arg10[%swap3A_128, %swap3A_129], %mul3A_126 {add = true, strides = array<i32>} : memref<8x4096xf32, #tpu.memory_space<vmem>>, vector<16xf32>,
          %broadcast_in_dim3A_131 = arith.constant 2 : i32
          %broadcast_in_dim3A_132 = vector.broadcast %broadcast_in_dim3A_131 : i32 to vector<16xi32>
          %gather3A_133 = tpu.vector_load_idx %arg7[%broadcast_in_dim3A_132, %select_n3A_96] : memref<8x7168xf32, #tpu.memory_space<vmem>>[vector<16xi32>, vector<16xi32>], vector<16xf32>,
          %select_n3A_134 = arith.select %and3A_94, %gather3A_133, %broadcast_in_dim3A_98 : vector<16xi1>, vector<16xf32>
          %mul3A_135 = arith.constant 16 : i32
          %mul3A_136 = arith.muli %scan3A_83, %mul3A_135 : i32
          %swap3A_137 = arith.constant 2 : i32
          %swap3A_138 = arith.index_cast %swap3A_137 : i32 to index
          %swap3A_139 = arith.index_cast %mul3A_136 : i32 to index
          %swap3A_140 = tpu.vector_load %arg9[%swap3A_138, %swap3A_139] {strides = array<i32>} : memref<8x4096xf32, #tpu.memory_space<vmem>>, vector<16xf32>,
          tpu.vector_store %arg9[%swap3A_138, %swap3A_139], %select_n3A_134 {add = true, strides = array<i32>} : memref<8x4096xf32, #tpu.memory_space<vmem>>, vector<16xf32>,
          %mul3A_141 = arith.constant 16 : i32
          %mul3A_142 = arith.muli %scan3A_83, %mul3A_141 : i32
          %mul3A_143 = arith.mulf %select_n3A_134, %select_n3A_134 : vector<16xf32>
          %swap3A_144 = arith.constant 2 : i32
          %swap3A_145 = arith.index_cast %swap3A_144 : i32 to index
          %swap3A_146 = arith.index_cast %mul3A_142 : i32 to index
          %swap3A_147 = tpu.vector_load %arg10[%swap3A_145, %swap3A_146] {strides = array<i32>} : memref<8x4096xf32, #tpu.memory_space<vmem>>, vector<16xf32>,
          tpu.vector_store %arg10[%swap3A_145, %swap3A_146], %mul3A_143 {add = true, strides = array<i32>} : memref<8x4096xf32, #tpu.memory_space<vmem>>, vector<16xf32>,
          %broadcast_in_dim3A_148 = arith.constant 3 : i32
          %broadcast_in_dim3A_149 = vector.broadcast %broadcast_in_dim3A_148 : i32 to vector<16xi32>
          %gather3A_150 = tpu.vector_load_idx %arg7[%broadcast_in_dim3A_149, %select_n3A_96] : memref<8x7168xf32, #tpu.memory_space<vmem>>[vector<16xi32>, vector<16xi32>], vector<16xf32>,
          %select_n3A_151 = arith.select %and3A_94, %gather3A_150, %broadcast_in_dim3A_98 : vector<16xi1>, vector<16xf32>
          %mul3A_152 = arith.constant 16 : i32
          %mul3A_153 = arith.muli %scan3A_83, %mul3A_152 : i32
          %swap3A_154 = arith.constant 3 : i32
          %swap3A_155 = arith.index_cast %swap3A_154 : i32 to index
          %swap3A_156 = arith.index_cast %mul3A_153 : i32 to index
          %swap3A_157 = tpu.vector_load %arg9[%swap3A_155, %swap3A_156] {strides = array<i32>} : memref<8x4096xf32, #tpu.memory_space<vmem>>, vector<16xf32>,
          tpu.vector_store %arg9[%swap3A_155, %swap3A_156], %select_n3A_151 {add = true, strides = array<i32>} : memref<8x4096xf32, #tpu.memory_space<vmem>>, vector<16xf32>,
          %mul3A_158 = arith.constant 16 : i32
          %mul3A_159 = arith.muli %scan3A_83, %mul3A_158 : i32
          %mul3A_160 = arith.mulf %select_n3A_151, %select_n3A_151 : vector<16xf32>
          %swap3A_161 = arith.constant 3 : i32
          %swap3A_162 = arith.index_cast %swap3A_161 : i32 to index
          %swap3A_163 = arith.index_cast %mul3A_159 : i32 to index
          %swap3A_164 = tpu.vector_load %arg10[%swap3A_162, %swap3A_163] {strides = array<i32>} : memref<8x4096xf32, #tpu.memory_space<vmem>>, vector<16xf32>,
          tpu.vector_store %arg10[%swap3A_162, %swap3A_163], %mul3A_160 {add = true, strides = array<i32>} : memref<8x4096xf32, #tpu.memory_space<vmem>>, vector<16xf32>,
          %broadcast_in_dim3A_165 = arith.constant 4 : i32
          %broadcast_in_dim3A_166 = vector.broadcast %broadcast_in_dim3A_165 : i32 to vector<16xi32>
          %gather3A_167 = tpu.vector_load_idx %arg7[%broadcast_in_dim3A_166, %select_n3A_96] : memref<8x7168xf32, #tpu.memory_space<vmem>>[vector<16xi32>, vector<16xi32>], vector<16xf32>,
          %select_n3A_168 = arith.select %and3A_94, %gather3A_167, %broadcast_in_dim3A_98 : vector<16xi1>, vector<16xf32>
          %mul3A_169 = arith.constant 16 : i32
          %mul3A_170 = arith.muli %scan3A_83, %mul3A_169 : i32
          %swap3A_171 = arith.constant 4 : i32
          %swap3A_172 = arith.index_cast %swap3A_171 : i32 to index
          %swap3A_173 = arith.index_cast %mul3A_170 : i32 to index
          %swap3A_174 = tpu.vector_load %arg9[%swap3A_172, %swap3A_173] {strides = array<i32>} : memref<8x4096xf32, #tpu.memory_space<vmem>>, vector<16xf32>,
          tpu.vector_store %arg9[%swap3A_172, %swap3A_173], %select_n3A_168 {add = true, strides = array<i32>} : memref<8x4096xf32, #tpu.memory_space<vmem>>, vector<16xf32>,
          %mul3A_175 = arith.constant 16 : i32
          %mul3A_176 = arith.muli %scan3A_83, %mul3A_175 : i32
          %mul3A_177 = arith.mulf %select_n3A_168, %select_n3A_168 : vector<16xf32>
          %swap3A_178 = arith.constant 4 : i32
          %swap3A_179 = arith.index_cast %swap3A_178 : i32 to index
          %swap3A_180 = arith.index_cast %mul3A_176 : i32 to index
          %swap3A_181 = tpu.vector_load %arg10[%swap3A_179, %swap3A_180] {strides = array<i32>} : memref<8x4096xf32, #tpu.memory_space<vmem>>, vector<16xf32>,
          tpu.vector_store %arg10[%swap3A_179, %swap3A_180], %mul3A_177 {add = true, strides = array<i32>} : memref<8x4096xf32, #tpu.memory_space<vmem>>, vector<16xf32>,
          %broadcast_in_dim3A_182 = arith.constant 5 : i32
          %broadcast_in_dim3A_183 = vector.broadcast %broadcast_in_dim3A_182 : i32 to vector<16xi32>
          %gather3A_184 = tpu.vector_load_idx %arg7[%broadcast_in_dim3A_183, %select_n3A_96] : memref<8x7168xf32, #tpu.memory_space<vmem>>[vector<16xi32>, vector<16xi32>], vector<16xf32>,
          %select_n3A_185 = arith.select %and3A_94, %gather3A_184, %broadcast_in_dim3A_98 : vector<16xi1>, vector<16xf32>
          %mul3A_186 = arith.constant 16 : i32
          %mul3A_187 = arith.muli %scan3A_83, %mul3A_186 : i32
          %swap3A_188 = arith.constant 5 : i32
          %swap3A_189 = arith.index_cast %swap3A_188 : i32 to index
          %swap3A_190 = arith.index_cast %mul3A_187 : i32 to index
          %swap3A_191 = tpu.vector_load %arg9[%swap3A_189, %swap3A_190] {strides = array<i32>} : memref<8x4096xf32, #tpu.memory_space<vmem>>, vector<16xf32>,
          tpu.vector_store %arg9[%swap3A_189, %swap3A_190], %select_n3A_185 {add = true, strides = array<i32>} : memref<8x4096xf32, #tpu.memory_space<vmem>>, vector<16xf32>,
          %mul3A_192 = arith.constant 16 : i32
          %mul3A_193 = arith.muli %scan3A_83, %mul3A_192 : i32
          %mul3A_194 = arith.mulf %select_n3A_185, %select_n3A_185 : vector<16xf32>
          %swap3A_195 = arith.constant 5 : i32
          %swap3A_196 = arith.index_cast %swap3A_195 : i32 to index
          %swap3A_197 = arith.index_cast %mul3A_193 : i32 to index
          %swap3A_198 = tpu.vector_load %arg10[%swap3A_196, %swap3A_197] {strides = array<i32>} : memref<8x4096xf32, #tpu.memory_space<vmem>>, vector<16xf32>,
          tpu.vector_store %arg10[%swap3A_196, %swap3A_197], %mul3A_194 {add = true, strides = array<i32>} : memref<8x4096xf32, #tpu.memory_space<vmem>>, vector<16xf32>,
          %broadcast_in_dim3A_199 = arith.constant 6 : i32
          %broadcast_in_dim3A_200 = vector.broadcast %broadcast_in_dim3A_199 : i32 to vector<16xi32>
          %gather3A_201 = tpu.vector_load_idx %arg7[%broadcast_in_dim3A_200, %select_n3A_96] : memref<8x7168xf32, #tpu.memory_space<vmem>>[vector<16xi32>, vector<16xi32>], vector<16xf32>,
          %select_n3A_202 = arith.select %and3A_94, %gather3A_201, %broadcast_in_dim3A_98 : vector<16xi1>, vector<16xf32>
          %mul3A_203 = arith.constant 16 : i32
          %mul3A_204 = arith.muli %scan3A_83, %mul3A_203 : i32
          %swap3A_205 = arith.constant 6 : i32
          %swap3A_206 = arith.index_cast %swap3A_205 : i32 to index
          %swap3A_207 = arith.index_cast %mul3A_204 : i32 to index
          %swap3A_208 = tpu.vector_load %arg9[%swap3A_206, %swap3A_207] {strides = array<i32>} : memref<8x4096xf32, #tpu.memory_space<vmem>>, vector<16xf32>,
          tpu.vector_store %arg9[%swap3A_206, %swap3A_207], %select_n3A_202 {add = true, strides = array<i32>} : memref<8x4096xf32, #tpu.memory_space<vmem>>, vector<16xf32>,
          %mul3A_209 = arith.constant 16 : i32
          %mul3A_210 = arith.muli %scan3A_83, %mul3A_209 : i32
          %mul3A_211 = arith.mulf %select_n3A_202, %select_n3A_202 : vector<16xf32>
          %swap3A_212 = arith.constant 6 : i32
          %swap3A_213 = arith.index_cast %swap3A_212 : i32 to index
          %swap3A_214 = arith.index_cast %mul3A_210 : i32 to index
          %swap3A_215 = tpu.vector_load %arg10[%swap3A_213, %swap3A_214] {strides = array<i32>} : memref<8x4096xf32, #tpu.memory_space<vmem>>, vector<16xf32>,
          tpu.vector_store %arg10[%swap3A_213, %swap3A_214], %mul3A_211 {add = true, strides = array<i32>} : memref<8x4096xf32, #tpu.memory_space<vmem>>, vector<16xf32>,
          %broadcast_in_dim3A_216 = arith.constant 7 : i32
          %broadcast_in_dim3A_217 = vector.broadcast %broadcast_in_dim3A_216 : i32 to vector<16xi32>
          %gather3A_218 = tpu.vector_load_idx %arg7[%broadcast_in_dim3A_217, %select_n3A_96] : memref<8x7168xf32, #tpu.memory_space<vmem>>[vector<16xi32>, vector<16xi32>], vector<16xf32>,
          %select_n3A_219 = arith.select %and3A_94, %gather3A_218, %broadcast_in_dim3A_98 : vector<16xi1>, vector<16xf32>
          %mul3A_220 = arith.constant 16 : i32
          %mul3A_221 = arith.muli %scan3A_83, %mul3A_220 : i32
          %swap3A_222 = arith.constant 7 : i32
          %swap3A_223 = arith.index_cast %swap3A_222 : i32 to index
          %swap3A_224 = arith.index_cast %mul3A_221 : i32 to index
          %swap3A_225 = tpu.vector_load %arg9[%swap3A_223, %swap3A_224] {strides = array<i32>} : memref<8x4096xf32, #tpu.memory_space<vmem>>, vector<16xf32>,
          tpu.vector_store %arg9[%swap3A_223, %swap3A_224], %select_n3A_219 {add = true, strides = array<i32>} : memref<8x4096xf32, #tpu.memory_space<vmem>>, vector<16xf32>,
          %mul3A_226 = arith.constant 16 : i32
          %mul3A_227 = arith.muli %scan3A_83, %mul3A_226 : i32
          %mul3A_228 = arith.mulf %select_n3A_219, %select_n3A_219 : vector<16xf32>
          %swap3A_229 = arith.constant 7 : i32
          %swap3A_230 = arith.index_cast %swap3A_229 : i32 to index
          %swap3A_231 = arith.index_cast %mul3A_227 : i32 to index
          %swap3A_232 = tpu.vector_load %arg10[%swap3A_230, %swap3A_231] {strides = array<i32>} : memref<8x4096xf32, #tpu.memory_space<vmem>>, vector<16xf32>,
          tpu.vector_store %arg10[%swap3A_230, %swap3A_231], %mul3A_228 {add = true, strides = array<i32>} : memref<8x4096xf32, #tpu.memory_space<vmem>>, vector<16xf32>,
          %scan3A_233 = arith.constant 0 : i32
          scf.yield %scan3A_233 : i32
        }
        %scan3A_82 = arith.constant 256 : i32
      } else {
      }
      %scan3A_21 = arith.constant 0 : i32
      scf.yield %scan3A_21 : i32
    }
    %scan3A_13 = arith.constant 25 : i32
    "tpu.region"() ({
      %run_scoped3A = tpu.sem_alloc : memref<!tpu.dma_semaphore, #tpu.memory_space<semaphore_mem>>
      %dma_start3A = arith.constant 0 : i32
      %dma_start3A_14 = arith.constant 0 : i32
      %dma_start3A_15 = tpu.memref_slice %arg5[%add3A, %dma_start3A, %dma_start3A_14] : memref<32x8x4096xf32, #tpu.memory_space<hbm>> -> memref<1x8x4096xf32, #tpu.memory_space<hbm>>
      %dma_start3A_16 = tpu.memref_squeeze %dma_start3A_15 : memref<1x8x4096xf32, #tpu.memory_space<hbm>> -> memref<8x4096xf32, #tpu.memory_space<hbm>>
      %dma_start3A_17 = arith.constant 0 : i32
      %dma_start3A_18 = arith.constant 0 : i32
      %dma_start3A_19 = tpu.memref_slice %arg5[%add3A, %dma_start3A_17, %dma_start3A_18] : memref<32x8x4096xf32, #tpu.memory_space<hbm>> -> memref<1x8x4096xf32, #tpu.memory_space<hbm>>
      %dma_start3A_20 = tpu.memref_squeeze %dma_start3A_19 : memref<1x8x4096xf32, #tpu.memory_space<hbm>> -> memref<8x4096xf32, #tpu.memory_space<hbm>>
      tpu.enqueue_dma source(%arg9 : memref<8x4096xf32, #tpu.memory_space<vmem>>) target(%dma_start3A_20 : memref<8x4096xf32, #tpu.memory_space<hbm>>) target_semaphore(%run_scoped3A : memref<!tpu.dma_semaphore, #tpu.memory_space<semaphore_mem>>)
      %dma_wait3A = arith.constant 0 : i32
      %dma_wait3A_21 = arith.constant 0 : i32
      %dma_wait3A_22 = tpu.memref_slice %arg5[%add3A, %dma_wait3A, %dma_wait3A_21] : memref<32x8x4096xf32, #tpu.memory_space<hbm>> -> memref<1x8x4096xf32, #tpu.memory_space<hbm>>
      %dma_wait3A_23 = tpu.memref_squeeze %dma_wait3A_22 : memref<1x8x4096xf32, #tpu.memory_space<hbm>> -> memref<8x4096xf32, #tpu.memory_space<hbm>>
      %dma_wait3A_24 = arith.constant 0 : i32
      %dma_wait3A_25 = arith.constant 0 : i32
      %dma_wait3A_26 = tpu.memref_slice %arg5[%add3A, %dma_wait3A_24, %dma_wait3A_25] : memref<32x8x4096xf32, #tpu.memory_space<hbm>> -> memref<1x8x4096xf32, #tpu.memory_space<hbm>>
      %dma_wait3A_27 = tpu.memref_squeeze %dma_wait3A_26 : memref<1x8x4096xf32, #tpu.memory_space<hbm>> -> memref<8x4096xf32, #tpu.memory_space<hbm>>
      tpu.wait_dma2 semaphore(%run_scoped3A : memref<!tpu.dma_semaphore, #tpu.memory_space<semaphore_mem>>) src(%arg9 : memref<8x4096xf32, #tpu.memory_space<vmem>>) dst(%dma_wait3A_27 : memref<8x4096xf32, #tpu.memory_space<hbm>>)
      tpu.yield
    }) : () -> ()
    "tpu.region"() ({
      %run_scoped3A = tpu.sem_alloc : memref<!tpu.dma_semaphore, #tpu.memory_space<semaphore_mem>>
      %dma_start3A = arith.constant 0 : i32
      %dma_start3A_14 = arith.constant 0 : i32
      %dma_start3A_15 = tpu.memref_slice %arg6[%add3A, %dma_start3A, %dma_start3A_14] : memref<32x8x4096xf32, #tpu.memory_space<hbm>> -> memref<1x8x4096xf32, #tpu.memory_space<hbm>>
      %dma_start3A_16 = tpu.memref_squeeze %dma_start3A_15 : memref<1x8x4096xf32, #tpu.memory_space<hbm>> -> memref<8x4096xf32, #tpu.memory_space<hbm>>
      %dma_start3A_17 = arith.constant 0 : i32
      %dma_start3A_18 = arith.constant 0 : i32
      %dma_start3A_19 = tpu.memref_slice %arg6[%add3A, %dma_start3A_17, %dma_start3A_18] : memref<32x8x4096xf32, #tpu.memory_space<hbm>> -> memref<1x8x4096xf32, #tpu.memory_space<hbm>>
      %dma_start3A_20 = tpu.memref_squeeze %dma_start3A_19 : memref<1x8x4096xf32, #tpu.memory_space<hbm>> -> memref<8x4096xf32, #tpu.memory_space<hbm>>
      tpu.enqueue_dma source(%arg10 : memref<8x4096xf32, #tpu.memory_space<vmem>>) target(%dma_start3A_20 : memref<8x4096xf32, #tpu.memory_space<hbm>>) target_semaphore(%run_scoped3A : memref<!tpu.dma_semaphore, #tpu.memory_space<semaphore_mem>>)
      %dma_wait3A = arith.constant 0 : i32
      %dma_wait3A_21 = arith.constant 0 : i32
      %dma_wait3A_22 = tpu.memref_slice %arg6[%add3A, %dma_wait3A, %dma_wait3A_21] : memref<32x8x4096xf32, #tpu.memory_space<hbm>> -> memref<1x8x4096xf32, #tpu.memory_space<hbm>>
      %dma_wait3A_23 = tpu.memref_squeeze %dma_wait3A_22 : memref<1x8x4096xf32, #tpu.memory_space<hbm>> -> memref<8x4096xf32, #tpu.memory_space<hbm>>
      %dma_wait3A_24 = arith.constant 0 : i32
      %dma_wait3A_25 = arith.constant 0 : i32
      %dma_wait3A_26 = tpu.memref_slice %arg6[%add3A, %dma_wait3A_24, %dma_wait3A_25] : memref<32x8x4096xf32, #tpu.memory_space<hbm>> -> memref<1x8x4096xf32, #tpu.memory_space<hbm>>
      %dma_wait3A_27 = tpu.memref_squeeze %dma_wait3A_26 : memref<1x8x4096xf32, #tpu.memory_space<hbm>> -> memref<8x4096xf32, #tpu.memory_space<hbm>>
      tpu.wait_dma2 semaphore(%run_scoped3A : memref<!tpu.dma_semaphore, #tpu.memory_space<semaphore_mem>>) src(%arg10 : memref<8x4096xf32, #tpu.memory_space<vmem>>) dst(%dma_wait3A_27 : memref<8x4096xf32, #tpu.memory_space<hbm>>)
      tpu.yield
    }) : () -> ()
    return
  }
}

module attributes {stable_mosaic.version = 14 : i64} {
  func.func @_tc1_body(%arg0: i32, %arg1: memref<16x16x512xf32, #tpu.memory_space<vmem>>, %arg2: memref<16x16x512xf32, #tpu.memory_space<vmem>>, %arg3: memref<16x512xf32, #tpu.memory_space<vmem>>, %arg4: memref<1x2x16xf32, #tpu.memory_space<vmem>>) attributes {dimension_semantics = [#tpu.dimension_semantics<arbitrary>], iteration_bounds = array<i64: 8>, scalar_prefetch = 0 : i64, scratch_operands = 0 : i64, tpu.core_type = #tpu.core_type<tc>, window_params = [{transform_indices = @transform_0, window_bounds = array<i64: 16, 16, 512>}, {transform_indices = @transform_1, window_bounds = array<i64: 16, 16, 512>}, {transform_indices = @transform_2, window_bounds = array<i64: 16, 512>}, {transform_indices = @transform_3, window_bounds = array<i64: 1, 2, 16>}]} {
    %get3A = arith.constant 0 : index
    %get3A_0 = arith.constant 0 : index
    %get3A_1 = arith.constant 0 : index
    %get3A_2 = vector.load %arg1[%get3A, %get3A_0, %get3A_1] : memref<16x16x512xf32, #tpu.memory_space<vmem>>, vector<16x16x512xf32>
    %reduce_sum3A = arith.constant dense<0.000000e+00> : vector<16x512xf32>
    %reduce_sum3A_3 = vector.multi_reduction <add>, %get3A_2, %reduce_sum3A [0] : vector<16x16x512xf32> to vector<16x512xf32>
    %get3A_4 = arith.constant 0 : index
    %get3A_5 = arith.constant 0 : index
    %get3A_6 = arith.constant 0 : index
    %get3A_7 = vector.load %arg2[%get3A_4, %get3A_5, %get3A_6] : memref<16x16x512xf32, #tpu.memory_space<vmem>>, vector<16x16x512xf32>
    %reduce_sum3A_8 = arith.constant dense<0.000000e+00> : vector<16x512xf32>
    %reduce_sum3A_9 = vector.multi_reduction <add>, %get3A_7, %reduce_sum3A_8 [0] : vector<16x16x512xf32> to vector<16x512xf32>
    %mul3A = arith.mulf %reduce_sum3A_3, %reduce_sum3A_3 : vector<16x512xf32>
    %sub3A = arith.subf %mul3A, %reduce_sum3A_9 : vector<16x512xf32>
    %mul3A_10 = arith.constant 5.000000e-01 : f32
    %mul3A_11 = vector.broadcast %mul3A_10 : f32 to vector<16x512xf32>
    %mul3A_12 = arith.mulf %mul3A_11, %sub3A : vector<16x512xf32>
    %swap3A = arith.constant 0 : index
    %swap3A_13 = arith.constant 0 : index
    %swap3A_14 = vector.load %arg3[%swap3A, %swap3A_13] : memref<16x512xf32, #tpu.memory_space<vmem>>, vector<16x512xf32>
    tpu.vector_store %arg3[%swap3A, %swap3A_13], %mul3A_12 {strides = array<i32>} : memref<16x512xf32, #tpu.memory_space<vmem>>, vector<16x512xf32>,
    %reduce_sum3A_15 = arith.constant dense<0.000000e+00> : vector<16xf32>
    %reduce_sum3A_16 = vector.multi_reduction <add>, %mul3A_12, %reduce_sum3A_15 [1] : vector<16x512xf32> to vector<16xf32>
    %reshape3A = vector.shape_cast %reduce_sum3A_16 : vector<16xf32> to vector<1x1x16xf32>
    %mul3A_17 = arith.mulf %mul3A_12, %mul3A_12 : vector<16x512xf32>
    %reduce_sum3A_18 = arith.constant dense<0.000000e+00> : vector<16xf32>
    %reduce_sum3A_19 = vector.multi_reduction <add>, %mul3A_17, %reduce_sum3A_18 [1] : vector<16x512xf32> to vector<16xf32>
    %reshape3A_20 = vector.shape_cast %reduce_sum3A_19 : vector<16xf32> to vector<1x1x16xf32>
    %concatenate3A = tpu.concatenate %reshape3A, %reshape3A_20 in 1 : vector<1x1x16xf32>, vector<1x1x16xf32> -> vector<1x2x16xf32>
    %swap3A_21 = arith.constant 0 : index
    %swap3A_22 = arith.constant 0 : index
    %swap3A_23 = arith.constant 0 : index
    %swap3A_24 = vector.load %arg4[%swap3A_21, %swap3A_22, %swap3A_23] : memref<1x2x16xf32, #tpu.memory_space<vmem>>, vector<1x2x16xf32>
    tpu.vector_store %arg4[%swap3A_21, %swap3A_22, %swap3A_23], %concatenate3A {strides = array<i32>} : memref<1x2x16xf32, #tpu.memory_space<vmem>>, vector<1x2x16xf32>,
    return
  }
  func.func @transform_0(%arg0: i32) -> (i32, i32, i32) {
    %c0_i32 = arith.constant 0 : i32
    %c0_i32_0 = arith.constant 0 : i32
    %c0_i32_1 = arith.constant 0 : i32
    return %c0_i32, %c0_i32_0, %arg0 : i32, i32, i32
  }
  func.func @transform_1(%arg0: i32) -> (i32, i32, i32) {
    %c0_i32 = arith.constant 0 : i32
    %c0_i32_0 = arith.constant 0 : i32
    %c0_i32_1 = arith.constant 0 : i32
    return %c0_i32, %c0_i32_0, %arg0 : i32, i32, i32
  }
  func.func @transform_2(%arg0: i32) -> (i32, i32) {
    %c0_i32 = arith.constant 0 : i32
    %c0_i32_0 = arith.constant 0 : i32
    return %c0_i32, %arg0 : i32, i32
  }
  func.func @transform_3(%arg0: i32) -> (i32, i32, i32) {
    %c0_i32 = arith.constant 0 : i32
    %c0_i32_0 = arith.constant 0 : i32
    %c0_i32_1 = arith.constant 0 : i32
    return %arg0, %c0_i32, %c0_i32_0 : i32, i32, i32
  }
}

module attributes {stable_mosaic.version = 14 : i64} {
  func.func @_tc2_body(%arg0: i32, %arg1: memref<512x16xf32, #tpu.memory_space<vmem>>, %arg2: memref<8x16xf32, #tpu.memory_space<vmem>>, %arg3: memref<8x16xf32, #tpu.memory_space<vmem>>, %arg4: memref<1x16xf32, #tpu.memory_space<vmem>>, %arg5: memref<1x16xf32, #tpu.memory_space<vmem>>, %arg6: memref<16x256xf32, #tpu.memory_space<vmem>>, %arg7: memref<1x256xf32, #tpu.memory_space<vmem>>, %arg8: memref<256x128xf32, #tpu.memory_space<vmem>>, %arg9: memref<1x128xf32, #tpu.memory_space<vmem>>, %arg10: memref<128x64xf32, #tpu.memory_space<vmem>>, %arg11: memref<1x64xf32, #tpu.memory_space<vmem>>, %arg12: memref<64x1xf32, #tpu.memory_space<vmem>>, %arg13: memref<1x1xf32, #tpu.memory_space<vmem>>, %arg14: memref<512x1xf32, #tpu.memory_space<vmem>>) attributes {dimension_semantics = [#tpu.dimension_semantics<arbitrary>], iteration_bounds = array<i64: 8>, scalar_prefetch = 0 : i64, scratch_operands = 0 : i64, tpu.core_type = #tpu.core_type<tc>, window_params = [{transform_indices = @transform_0, window_bounds = array<i64: 512, 16>}, {pipeline_mode = #tpu.pipeline_mode<synchronous>, transform_indices = @transform_1, window_bounds = array<i64: 8, 16>}, {pipeline_mode = #tpu.pipeline_mode<synchronous>, transform_indices = @transform_2, window_bounds = array<i64: 8, 16>}, {pipeline_mode = #tpu.pipeline_mode<synchronous>, transform_indices = @transform_3, window_bounds = array<i64: 1, 16>}, {pipeline_mode = #tpu.pipeline_mode<synchronous>, transform_indices = @transform_4, window_bounds = array<i64: 1, 16>}, {pipeline_mode = #tpu.pipeline_mode<synchronous>, transform_indices = @transform_5, window_bounds = array<i64: 16, 256>}, {pipeline_mode = #tpu.pipeline_mode<synchronous>, transform_indices = @transform_6, window_bounds = array<i64: 1, 256>}, {pipeline_mode = #tpu.pipeline_mode<synchronous>, transform_indices = @transform_7, window_bounds = array<i64: 256, 128>}, {pipeline_mode = #tpu.pipeline_mode<synchronous>, transform_indices = @transform_8, window_bounds = array<i64: 1, 128>}, {pipeline_mode = #tpu.pipeline_mode<synchronous>, transform_indices = @transform_9, window_bounds = array<i64: 128, 64>}, {pipeline_mode = #tpu.pipeline_mode<synchronous>, transform_indices = @transform_10, window_bounds = array<i64: 1, 64>}, {pipeline_mode = #tpu.pipeline_mode<synchronous>, transform_indices = @transform_11, window_bounds = array<i64: 64, 1>}, {pipeline_mode = #tpu.pipeline_mode<synchronous>, transform_indices = @transform_12, window_bounds = array<i64: 1, 1>}, {transform_indices = @transform_13, window_bounds = array<i64: 512, 1>}]} {
    %get3A = arith.constant 0 : index
    %get3A_0 = arith.constant 0 : index
    %get3A_1 = vector.load %arg2[%get3A, %get3A_0] : memref<8x16xf32, #tpu.memory_space<vmem>>, vector<8x16xf32>
    %reduce_sum3A = arith.constant dense<0.000000e+00> : vector<16xf32>
    %reduce_sum3A_2 = vector.multi_reduction <add>, %get3A_1, %reduce_sum3A [0] : vector<8x16xf32> to vector<16xf32>
    %broadcast_in_dim3A = vector.shape_cast %reduce_sum3A_2 : vector<16xf32> to vector<1x16xf32>
    %mul3A = arith.constant 2.44140625E-4 : f32
    %mul3A_3 = vector.broadcast %mul3A : f32 to vector<1x16xf32>
    %mul3A_4 = arith.mulf %broadcast_in_dim3A, %mul3A_3 : vector<1x16xf32>
    %get3A_5 = arith.constant 0 : index
    %get3A_6 = arith.constant 0 : index
    %get3A_7 = vector.load %arg3[%get3A_5, %get3A_6] : memref<8x16xf32, #tpu.memory_space<vmem>>, vector<8x16xf32>
    %reduce_sum3A_8 = arith.constant dense<0.000000e+00> : vector<16xf32>
    %reduce_sum3A_9 = vector.multi_reduction <add>, %get3A_7, %reduce_sum3A_8 [0] : vector<8x16xf32> to vector<16xf32>
    %broadcast_in_dim3A_10 = vector.shape_cast %reduce_sum3A_9 : vector<16xf32> to vector<1x16xf32>
    %mul3A_11 = arith.constant 2.44140625E-4 : f32
    %mul3A_12 = vector.broadcast %mul3A_11 : f32 to vector<1x16xf32>
    %mul3A_13 = arith.mulf %broadcast_in_dim3A_10, %mul3A_12 : vector<1x16xf32>
    %mul3A_14 = arith.mulf %mul3A_4, %mul3A_4 : vector<1x16xf32>
    %sub3A = arith.subf %mul3A_13, %mul3A_14 : vector<1x16xf32>
    %add3A = arith.constant 1.000000e-03 : f32
    %add3A_15 = vector.broadcast %add3A : f32 to vector<1x16xf32>
    %add3A_16 = arith.addf %sub3A, %add3A_15 : vector<1x16xf32>
    %rsqrt3A = math.rsqrt %add3A_16 : vector<1x16xf32>
    %get3A_17 = arith.constant 0 : index
    %get3A_18 = arith.constant 0 : index
    %get3A_19 = vector.load %arg1[%get3A_17, %get3A_18] : memref<512x16xf32, #tpu.memory_space<vmem>>, vector<512x16xf32>
    %sub3A_20 = vector.broadcast %mul3A_4 : vector<1x16xf32> to vector<512x16xf32>
    %sub3A_21 = arith.subf %get3A_19, %sub3A_20 : vector<512x16xf32>
    %get3A_22 = arith.constant 0 : index
    %get3A_23 = arith.constant 0 : index
    %get3A_24 = vector.load %arg4[%get3A_22, %get3A_23] : memref<1x16xf32, #tpu.memory_space<vmem>>, vector<1x16xf32>
    %mul3A_25 = arith.mulf %rsqrt3A, %get3A_24 : vector<1x16xf32>
    %mul3A_26 = vector.broadcast %mul3A_25 : vector<1x16xf32> to vector<512x16xf32>
    %mul3A_27 = arith.mulf %sub3A_21, %mul3A_26 : vector<512x16xf32>
    %get3A_28 = arith.constant 0 : index
    %get3A_29 = arith.constant 0 : index
    %get3A_30 = vector.load %arg5[%get3A_28, %get3A_29] : memref<1x16xf32, #tpu.memory_space<vmem>>, vector<1x16xf32>
    %add3A_31 = vector.broadcast %get3A_30 : vector<1x16xf32> to vector<512x16xf32>
    %add3A_32 = arith.addf %mul3A_27, %add3A_31 : vector<512x16xf32>
    %get3A_33 = arith.constant 0 : index
    %get3A_34 = arith.constant 0 : index
    %get3A_35 = vector.load %arg6[%get3A_33, %get3A_34] : memref<16x256xf32, #tpu.memory_space<vmem>>, vector<16x256xf32>
    %dot_general3A = arith.constant dense<0.000000e+00> : vector<512x256xf32>
    %dot_general3A_36 = tpu.matmul %add3A_32, %get3A_35, %dot_general3A {dimension_numbers = #tpu.dot_dimension_numbers<[1], [0], [0], [1], [0, 0, 1, 1], [], []>, transpose_lhs_hint = false} : vector<512x16xf32>, vector<16x256xf32>, vector<512x256xf32> -> vector<512x256xf32>
    %get3A_37 = arith.constant 0 : index
    %get3A_38 = arith.constant 0 : index
    %get3A_39 = vector.load %arg7[%get3A_37, %get3A_38] : memref<1x256xf32, #tpu.memory_space<vmem>>, vector<1x256xf32>
    %add3A_40 = vector.broadcast %get3A_39 : vector<1x256xf32> to vector<512x256xf32>
    %add3A_41 = arith.addf %dot_general3A_36, %add3A_40 : vector<512x256xf32>
    %max3A = arith.constant 0.000000e+00 : f32
    %max3A_42 = vector.broadcast %max3A : f32 to vector<512x256xf32>
    %max3A_43 = arith.maximumf %add3A_41, %max3A_42 : vector<512x256xf32>
    %get3A_44 = arith.constant 0 : index
    %get3A_45 = arith.constant 0 : index
    %get3A_46 = vector.load %arg8[%get3A_44, %get3A_45] : memref<256x128xf32, #tpu.memory_space<vmem>>, vector<256x128xf32>
    %dot_general3A_47 = arith.constant dense<0.000000e+00> : vector<512x128xf32>
    %dot_general3A_48 = tpu.matmul %max3A_43, %get3A_46, %dot_general3A_47 {dimension_numbers = #tpu.dot_dimension_numbers<[1], [0], [0], [1], [0, 0, 1, 1], [], []>, transpose_lhs_hint = false} : vector<512x256xf32>, vector<256x128xf32>, vector<512x128xf32> -> vector<512x128xf32>
    %get3A_49 = arith.constant 0 : index
    %get3A_50 = arith.constant 0 : index
    %get3A_51 = vector.load %arg9[%get3A_49, %get3A_50] : memref<1x128xf32, #tpu.memory_space<vmem>>, vector<1x128xf32>
    %add3A_52 = vector.broadcast %get3A_51 : vector<1x128xf32> to vector<512x128xf32>
    %add3A_53 = arith.addf %dot_general3A_48, %add3A_52 : vector<512x128xf32>
    %max3A_54 = arith.constant 0.000000e+00 : f32
    %max3A_55 = vector.broadcast %max3A_54 : f32 to vector<512x128xf32>
    %max3A_56 = arith.maximumf %add3A_53, %max3A_55 : vector<512x128xf32>
    %get3A_57 = arith.constant 0 : index
    %get3A_58 = arith.constant 0 : index
    %get3A_59 = vector.load %arg10[%get3A_57, %get3A_58] : memref<128x64xf32, #tpu.memory_space<vmem>>, vector<128x64xf32>
    %dot_general3A_60 = arith.constant dense<0.000000e+00> : vector<512x64xf32>
    %dot_general3A_61 = tpu.matmul %max3A_56, %get3A_59, %dot_general3A_60 {dimension_numbers = #tpu.dot_dimension_numbers<[1], [0], [0], [1], [0, 0, 1, 1], [], []>, transpose_lhs_hint = false} : vector<512x128xf32>, vector<128x64xf32>, vector<512x64xf32> -> vector<512x64xf32>
    %get3A_62 = arith.constant 0 : index
    %get3A_63 = arith.constant 0 : index
    %get3A_64 = vector.load %arg11[%get3A_62, %get3A_63] : memref<1x64xf32, #tpu.memory_space<vmem>>, vector<1x64xf32>
    %add3A_65 = vector.broadcast %get3A_64 : vector<1x64xf32> to vector<512x64xf32>
    %add3A_66 = arith.addf %dot_general3A_61, %add3A_65 : vector<512x64xf32>
    %max3A_67 = arith.constant 0.000000e+00 : f32
    %max3A_68 = vector.broadcast %max3A_67 : f32 to vector<512x64xf32>
    %max3A_69 = arith.maximumf %add3A_66, %max3A_68 : vector<512x64xf32>
    %get3A_70 = arith.constant 0 : index
    %get3A_71 = arith.constant 0 : index
    %get3A_72 = vector.load %arg12[%get3A_70, %get3A_71] : memref<64x1xf32, #tpu.memory_space<vmem>>, vector<64x1xf32>
    %dot_general3A_73 = arith.constant dense<0.000000e+00> : vector<512x1xf32>
    %dot_general3A_74 = tpu.matmul %max3A_69, %get3A_72, %dot_general3A_73 {dimension_numbers = #tpu.dot_dimension_numbers<[1], [0], [0], [1], [0, 0, 1, 1], [], []>, transpose_lhs_hint = false} : vector<512x64xf32>, vector<64x1xf32>, vector<512x1xf32> -> vector<512x1xf32>
    %get3A_75 = arith.constant 0 : index
    %get3A_76 = arith.constant 0 : index
    %get3A_77 = vector.load %arg13[%get3A_75, %get3A_76] : memref<1x1xf32, #tpu.memory_space<vmem>>, vector<1x1xf32>
    %add3A_78 = vector.broadcast %get3A_77 : vector<1x1xf32> to vector<512x1xf32>
    %add3A_79 = arith.addf %dot_general3A_74, %add3A_78 : vector<512x1xf32>
    %logistic3A = arith.negf %add3A_79 : vector<512x1xf32>
    %logistic3A_80 = math.exp %logistic3A : vector<512x1xf32>
    %logistic3A_81 = arith.constant 1.000000e+00 : f32
    %logistic3A_82 = vector.broadcast %logistic3A_81 : f32 to vector<512x1xf32>
    %logistic3A_83 = arith.addf %logistic3A_82, %logistic3A_80 : vector<512x1xf32>
    %logistic3A_84 = arith.divf %logistic3A_82, %logistic3A_83 : vector<512x1xf32>
    %swap3A = arith.constant 0 : index
    %swap3A_85 = arith.constant 0 : index
    %swap3A_86 = vector.load %arg14[%swap3A, %swap3A_85] : memref<512x1xf32, #tpu.memory_space<vmem>>, vector<512x1xf32>
    tpu.vector_store %arg14[%swap3A, %swap3A_85], %logistic3A_84 {strides = array<i32>} : memref<512x1xf32, #tpu.memory_space<vmem>>, vector<512x1xf32>,
    return
  }
  func.func @transform_0(%arg0: i32) -> (i32, i32) {
    %c0_i32 = arith.constant 0 : i32
    %c0_i32_0 = arith.constant 0 : i32
    return %arg0, %c0_i32 : i32, i32
  }
  func.func @transform_1(%arg0: i32) -> (i32, i32) {
    %c0_i32 = arith.constant 0 : i32
    %c0_i32_0 = arith.constant 0 : i32
    %c0_i32_1 = arith.constant 0 : i32
    return %c0_i32, %c0_i32_0 : i32, i32
  }
  func.func @transform_2(%arg0: i32) -> (i32, i32) {
    %c0_i32 = arith.constant 0 : i32
    %c0_i32_0 = arith.constant 0 : i32
    %c0_i32_1 = arith.constant 0 : i32
    return %c0_i32, %c0_i32_0 : i32, i32
  }
  func.func @transform_3(%arg0: i32) -> (i32, i32) {
    %c0_i32 = arith.constant 0 : i32
    %c0_i32_0 = arith.constant 0 : i32
    %c0_i32_1 = arith.constant 0 : i32
    return %c0_i32, %c0_i32_0 : i32, i32
  }
  func.func @transform_4(%arg0: i32) -> (i32, i32) {
    %c0_i32 = arith.constant 0 : i32
    %c0_i32_0 = arith.constant 0 : i32
    %c0_i32_1 = arith.constant 0 : i32
    return %c0_i32, %c0_i32_0 : i32, i32
  }
  func.func @transform_5(%arg0: i32) -> (i32, i32) {
    %c0_i32 = arith.constant 0 : i32
    %c0_i32_0 = arith.constant 0 : i32
    %c0_i32_1 = arith.constant 0 : i32
    return %c0_i32, %c0_i32_0 : i32, i32
  }
  func.func @transform_6(%arg0: i32) -> (i32, i32) {
    %c0_i32 = arith.constant 0 : i32
    %c0_i32_0 = arith.constant 0 : i32
    %c0_i32_1 = arith.constant 0 : i32
    return %c0_i32, %c0_i32_0 : i32, i32
  }
  func.func @transform_7(%arg0: i32) -> (i32, i32) {
    %c0_i32 = arith.constant 0 : i32
    %c0_i32_0 = arith.constant 0 : i32
    %c0_i32_1 = arith.constant 0 : i32
    return %c0_i32, %c0_i32_0 : i32, i32
  }
  func.func @transform_8(%arg0: i32) -> (i32, i32) {
    %c0_i32 = arith.constant 0 : i32
    %c0_i32_0 = arith.constant 0 : i32
    %c0_i32_1 = arith.constant 0 : i32
    return %c0_i32, %c0_i32_0 : i32, i32
  }
  func.func @transform_9(%arg0: i32) -> (i32, i32) {
    %c0_i32 = arith.constant 0 : i32
    %c0_i32_0 = arith.constant 0 : i32
    %c0_i32_1 = arith.constant 0 : i32
    return %c0_i32, %c0_i32_0 : i32, i32
  }
  func.func @transform_10(%arg0: i32) -> (i32, i32) {
    %c0_i32 = arith.constant 0 : i32
    %c0_i32_0 = arith.constant 0 : i32
    %c0_i32_1 = arith.constant 0 : i32
    return %c0_i32, %c0_i32_0 : i32, i32
  }
  func.func @transform_11(%arg0: i32) -> (i32, i32) {
    %c0_i32 = arith.constant 0 : i32
    %c0_i32_0 = arith.constant 0 : i32
    %c0_i32_1 = arith.constant 0 : i32
    return %c0_i32, %c0_i32_0 : i32, i32
  }
  func.func @transform_12(%arg0: i32) -> (i32, i32) {
    %c0_i32 = arith.constant 0 : i32
    %c0_i32_0 = arith.constant 0 : i32
    %c0_i32_1 = arith.constant 0 : i32
    return %c0_i32, %c0_i32_0 : i32, i32
  }
  func.func @transform_13(%arg0: i32) -> (i32, i32) {
    %c0_i32 = arith.constant 0 : i32
    %c0_i32_0 = arith.constant 0 : i32
    return %arg0, %c0_i32 : i32, i32
  }
}

</mosaic_0001>

<sc_bundles>
// kernel: kernel.5.cloned.1.call-start
scs
__scs_entry_jumppad:
0x0: {  	(pc) =	sbr.rel $0x88, $3  }
0x1: {  	(tag) =	ssettag $0x0;
	lr =	simm.s32 $0x1  }
0x2: {  	[smem:$0x3F95] =	sst lr;
	_ =	strace $0xD0000000  }
0x3: {  	_ = 	snop  }
0x4: {  	_ = 	snop  }
0x5: {  	_ = 	snop  }
0x6: {  	_ = 	snop  }
0x7: {  	_ = 	snop  }
__scs_overlays_trampoline_lowered:
0x8: {  	[smem:$0x3FA4] =	sst s0  }
0x9: {  	[smem:$0x3FA5] =	sst s1  }
0xa: {  	[smem:$0x3FA6] =	sst s2  }
0xb: {  	[smem:$0x3FA7] =	sst s3  }
0xc: {  	[smem:$0x3FA8] =	sst s4  }
0xd: {  	[smem:$0x3FA9] =	sst s5  }
0xe: {  	[smem:$0x3FAA] =	sst s6  }
0xf: {  	[smem:$0x3FAB] =	sst s7  }
0x10: {  	[smem:$0x3FAC] =	sst s8  }
0x11: {  	[smem:$0x3FAD] =	sst s9;
	s0 =	simm.s32 @!p0 $0x0  }
0x12: {  	s1 =	sld [smem:$0x3F93];
	s0 =	simm.s32 @p0 $0x1  }
0x13: {  	[smem:$0x3FAE] =	sst s0;
	s0 =	simm.s32 @!p1 $0x0  }
0x14: {  	s2 =	sld [smem:$0x3F92];
	s0 =	simm.s32 @p1 $0x1  }
0x15: {  	[smem:$0x3FAF] =	sst s0;
	s0 =	simm.s32 @!p2 $0x0  }
0x16: {  	s3 =	sld [smem:$0x3FDB];
	s0 =	simm.s32 @p2 $0x1  }
0x17: {  	s4 =	simm.s32 $0x1BF5;
	[smem:$0x3FB1] =	sst s0  }
0x18: {  	s0 =	sld [smem:$0x3F94];
	_ =	swait.ge [sflag:s4], $0x0  }
0x19: {  	s7 =	sld [smem:$0x3F95]  }
0x1a: {  	s8 =	sadd.s32 $0xFFFFE003, lr  }
0x1b: {  	s9 =	sadd.s32 $0xFFFFFEF7, lr;
	s5 =	simm.s32 $0xFFFFFFFF;
	p2 =	slt.u32 s8, $0xFFFFF086  }
0x1c: {  	p1 =	slt.u32 s9, $0xF7A;
	s5 =	simm.s32 @!p2 $0x0  }
0x1d: {  	s5 =	simm.s32 @p1 $0x1;
	p0 =	seq.s32 s7, s2  }
0x1e: {  	s7 =	smul.u32 @!p0 $0xF7A, s2;
	p2 =	seq.s32 @!p0 s5, $0x0  }
0x1f: {  	s9 =	smul.u32 $0xF7A, s1;
	s8 =	simm.s32 @!p0 $0x1BF5;
	p2 =	por !p2, p0  }
0x20: {  	[sflag:s8] =	ssyncset.s32 @!p0 $0xFFFFF086;
	s6 =	sadd.s32 @!p0 s3, s7;
	s7 =	simm.s32 @!p0 $0x108  }
0x21: {  	s3 =	sadd.s32 s3, s9;
	s6 =	sadd.s32 @!p0 $0x88, s6;
	s7 =	simm.s32 @p2 $0x1082  }
0x22: {  	[simem:s7], [sflag:s8] =	dma.local @!p0 [hbm:s6], $0xF7A  }
0x23: {  	s9 =	sor.u32 $0xD0000000, s2;
	s6 =	simm.s32 $0x108;
	_ =	swait.ge @!p0 [sflag:s8], $0x0  }
0x24: {  	s3 =	sadd.s32 $0x88, s3;
	s6 =	simm.s32 @!p1 $0x1082;
	[sflag:s4] =	ssyncset.s32 $0xFFFFF086  }
0x25: {  	[simem:s6], [sflag:s4] =	dma.local [hbm:s3], $0xF7A  }
0x26: {  	[smem:$0x3F95] =	sst s1;
	(tag) =	ssettag s2;
	_ =	strace s9  }
0x27: {  	s1 =	sld [smem:$0x3FA5]  }
0x28: {  	s2 =	sld [smem:$0x3FA6]  }
0x29: {  	s4 =	sld [smem:$0x3FA8]  }
0x2a: {  	p0 =	seq.s32 s5, $0x0;
	s5 =	sld [smem:$0x3FA9]  }
0x2b: {  	s6 =	sld [smem:$0x3FAA]  }
0x2c: {  	s7 =	sld [smem:$0x3FAB]  }
0x2d: {  	s3 =	simm.s32 $0x108;
	s8 =	sld [smem:$0x3FAC]  }
0x2e: {  	s3 =	simm.s32 @!p0 $0x1082;
	s9 =	sld [smem:$0x3FAD]  }
0x2f: {  	lr =	sadd.s32 s0, s3;
	s0 =	sld [smem:$0x3FA4]  }
0x30: {  	s3 =	sld [smem:$0x3FA7]  }
0x31: {  	[smem:$0x3FB0] =	sst s10  }
0x32: {  	s10 =	sld [smem:$0x3FAE];
	_ =	sdelay $0x3  }
0x33: {  	p0 =	seq.s32 s10, $0x1;
	s10 =	sld [smem:$0x3FB0];
	_ =	sdelay $0x3  }
0x34: {  	[smem:$0x3FB0] =	sst s10  }
0x35: {  	s10 =	sld [smem:$0x3FAF];
	_ =	sdelay $0x3  }
0x36: {  	p1 =	seq.s32 s10, $0x1;
	s10 =	sld [smem:$0x3FB0];
	_ =	sdelay $0x3  }
0x37: {  	[smem:$0x3FB0] =	sst s10  }
0x38: {  	s10 =	sld [smem:$0x3FB1]  }
0x39: {  	_ = 	snop;
	(pc) =	sbr.ind lr, $3  }
0x3a: {  	_ = 	snop  }
0x3b: {  	_ = 	snop  }
0x3c: {  	p2 =	seq.s32 s10, $0x1;
	s10 =	sld [smem:$0x3FB0]  }
0x3d: {  	_ =	shalt  }
0x3e: {  	_ =	shalt  }
0x3f: {  	_ =	shalt  }
0x40: {  	_ =	shalt  }
0x41: {  	_ =	shalt  }
0x42: {  	_ =	shalt  }
0x43: {  	_ =	shalt  }
0x44: {  	_ =	shalt  }
0x45: {  	_ =	shalt  }
0x46: {  	_ =	shalt  }
0x47: {  	_ =	shalt  }
0x48: {  	_ =	shalt  }
0x49: {  	_ =	shalt  }
0x4a: {  	_ =	shalt  }
0x4b: {  	_ =	shalt  }
0x4c: {  	_ =	shalt  }
0x4d: {  	_ =	shalt  }
0x4e: {  	_ =	shalt  }
0x4f: {  	_ =	shalt  }
0x50: {  	_ =	shalt  }
0x51: {  	_ =	shalt  }
0x52: {  	_ =	shalt  }
0x53: {  	_ =	shalt  }
0x54: {  	_ =	shalt  }
0x55: {  	_ =	shalt  }
0x56: {  	_ =	shalt  }
0x57: {  	_ =	shalt  }
0x58: {  	_ =	shalt  }
0x59: {  	_ =	shalt  }
0x5a: {  	_ =	shalt  }
0x5b: {  	_ =	shalt  }
0x5c: {  	_ =	shalt  }
0x5d: {  	_ =	shalt  }
0x5e: {  	_ =	shalt  }
0x5f: {  	_ =	shalt  }
0x60: {  	_ =	shalt  }
0x61: {  	_ =	shalt  }
0x62: {  	_ =	shalt  }
0x63: {  	_ =	shalt  }
0x64: {  	_ =	shalt  }
0x65: {  	_ =	shalt  }
0x66: {  	_ =	shalt  }
0x67: {  	_ =	shalt  }
0x68: {  	_ =	shalt  }
0x69: {  	_ =	shalt  }
0x6a: {  	_ =	shalt  }
0x6b: {  	_ =	shalt  }
0x6c: {  	_ =	shalt  }
0x6d: {  	_ =	shalt  }
0x6e: {  	_ =	shalt  }
0x6f: {  	_ =	shalt  }
0x70: {  	_ =	shalt  }
0x71: {  	_ =	shalt  }
0x72: {  	_ =	shalt  }
0x73: {  	_ =	shalt  }
0x74: {  	_ =	shalt  }
0x75: {  	_ =	shalt  }
0x76: {  	_ =	shalt  }
0x77: {  	_ =	shalt  }
0x78: {  	_ =	shalt  }
0x79: {  	_ =	shalt  }
0x7a: {  	_ =	shalt  }
0x7b: {  	_ =	shalt  }
0x7c: {  	_ =	shalt  }
0x7d: {  	_ =	shalt  }
0x7e: {  	_ =	shalt  }
0x7f: {  	_ =	shalt  }
0x80: {  	_ =	shalt  }
0x81: {  	_ =	shalt  }
0x82: {  	_ =	shalt  }
0x83: {  	_ =	shalt  }
0x84: {  	_ =	shalt  }
0x85: {  	_ =	shalt  }
0x86: {  	_ =	shalt  }
0x87: {  	_ =	shalt  }
.Lfunc_end0:
.L_simem_size_0:
called_computation_lowered:
.L_overlay_start_0:
0x88: {  	s2 =	sld [smem:$0x3FD9]  }
0x89: {  	s3 =	sld [smem:$0x3FFE];
	_ =	sdelay $0x1  }
0x8a: {  	s1 =	srdreg.scid  }
0x8b: {  	s0 =	sand.u32 $0x1, s1  }
0x8c: {  	s17 =	sshll.u32 s0, $0xA;
	s2 =	sadd.s32 s3, s2  }
0x8d: {  	s2 =	sadd.s32 s2, s17  }
0x8e: {  	[smem:$0x3FBC] =	sst s2  }
0x8f: {  	_ = 	snop  }
0x90: {  	s2 =	sld [smem:$0x3FC8];
	(tm) =	ssettm $0x1  }
0x91: {  	s18 =	sld [smem:$0x3FFB];
	_ =	sdelay $0x3  }
0x92: {  	_ =	strace s18  }
0x93: {  	s3 =	sld [smem:$0x3FFC];
	_ =	sdelay $0x3  }
0x94: {  	_ =	strace s3  }
0x95: {  	s3 =	sld [smem:$0x3FFD];
	_ =	sdelay $0x3  }
0x96: {  	_ =	strace s3  }
0x97: {  	_ =	strace $0x8FFFFFFF  }
0x98: {  	s19 =	sld [smem:$0x3FDB];
	_ =	sdelay $0x1  }
0x99: {  	s4 =	simm.s32 $_scs_section_size  }
0x9a: {  	s5 =	simm.s32 $_size__tile_overlayer_lowered;
	s6 =	simm.s32 $_tile_overlayer_lowered  }
0x9b: {  	s22 =	simm.s32 $0x1BFF;
	s21 =	sshll.u32 s6, $0x1;
	s3 =	sadd.s32 s4, s19  }
0x9c: {  	s7 =	simm.s32 $0x0;
	s20 =	sshll.u32 s5, $0x1;
	s5 =	sadd.s32 s21, s3  }
0x9d: {  	[timem:s7], [sflag:s22] =	dma.local [hbm:s5], s20  }
0x9e: {  	_ =	swait.ge [sflag:s22], s20  }
0x9f: {  	s4 =	ssub.s32 $0x0, s20;
	[sflag:s22] =	ssyncset.done $0x0  }
0xa0: {  	[sflag:s22] =	ssyncadd.s32 s4;
	_ =	sdelay $0x1  }
0xa1: {  	s23 =	simm.s32 $0x1B8B  }
0xa2: {  	_ =	swait.ge [sflag:s23], $0x1  }
0xa3: {  	[sflag:s23] =	ssyncset.done $0x0  }
0xa4: {  	s25 =	simm.s32 $0x1B8E;
	s24 =	sld [smem:$0x3FFE];
	[sflag:s23] =	ssyncadd.s32 $0xFFFFFFFF  }
0xa5: {  	s26 =	simm.s32 $execute0_lowered;
	[smem:$0x3FD2] =	sst s25  }
0xa6: {  	s5 =	sshll.u32 s26, $0x1;
	_ =	strace $0x80000046;
	[dreg:$0x1] =	wrdreg $0xFFFFFFFF  }
0xa7: {  	s28 =	simm.s32 $_size_execute0_lowered;
	s3 =	sadd.s32 s3, s5;
	[dreg:$0x0] =	wrdreg $0x0  }
0xa8: {  	s5 =	sshll.u32 s28, $0x1;
	[dreg:$0x2] =	wrdreg s3  }
0xa9: {  	[dreg:$0x3] =	wrdreg s5  }
0xaa: {  	[dreg:$0x4] =	wrdreg $0xC0  }
0xab: {  	_ =	task [dreg:s7], $0x5FFFF  }
0xac: {  	[dreg:$0x1] =	wrdreg $0xFFFFFFFF  }
0xad: {  	[dreg:$0x0] =	wrdreg $0x60  }
0xae: {  	[dreg:$0x2] =	wrdreg s2  }
0xaf: {  	[dreg:$0x3] =	wrdreg s24  }
0xb0: {  	[dreg:$0x4] =	wrdreg $0x9  }
0xb1: {  	_ =	task.clear_ibuf [dreg:s7], $0x5FFFF;
	_ =	strace $0x90000046  }
0xb2: {  	s29 =	simm.s32 $0x9;
	_ =	strace $0x80000048  }
0xb3: {  	_ =	swait.ge [sflag:s29], $0x1  }
0xb4: {  	[sflag:s29] =	ssyncadd.s32 $0xFFFFFFFF  }
0xb5: {  	_ =	strace $0x90000048  }
0xb6: {  	_ =	sfence  }
0xb7: {  	s30 =	sld [smem:$0x0];
	_ =	sdelay $0x2  }
0xb8: {  	s31 =	sshll.u32 s1, $0xD;
	s1 =	sshrl.u32 s1, $0x2  }
0xb9: {  	s3 =	sand.u32 $0x4000, s31;
	s1 =	sadd.s32 s1, s30  }
0xba: {  	s0 =	sor.u32 s3, s0;
	s1 =	sshll.u32 s1, $0x11  }
0xbb: {  	s0 =	sor.u32 s1, s0  }
0xbc: {  	s0 =	sadd.s32 $0x8F2B, s0  }
0xbd: {  	[sflag:s0] =	ssyncadd.remote.s32 $0x1  }
0xbe: {  	_ =	sfence.sel $0xFFFF  }
0xbf: {  	[dreg:$0x0] =	wrdreg $0xFFFFFFFF;
	(pc) =	sbr.abs _section_cstart, $3  }
0xc0: {  	[dreg:$0x1] =	wrdreg $0xFFFFFFFF  }
0xc1: {  	_ =	task.clear_ibuf [dreg:s7], $0x2FFFF;
	_ =	strace $0x9FFFFFFF  }
0xc2: {  	(tm) =	ssettm $0x7FFFFFFF  }
0xc3: {  	_ =	shalt  }
tec
execute0_lowered:
.L_overlay_start_1:
0x0: {  	(tag) =	ssettag $0x1  }
0x1: {  	s1 =	rddreg [dreg:$0x0]  }
0x2: {  	s6 =	rddreg [dreg:$0x1]  }
0x3: {  	s0 =	rddreg [dreg:$0x2]  }
0x4: {  	s3 =	simm.s32 $0x0;
	s4 =	srdreg.scid;
	s2 =	stileid.u32  }
0x5: {  	s10 =	simm.s32 $0x1;
	s11 =	simm.s32 $0xF000;
	s12 =	simm.s32 $0x17000  }
0x6: {  	s13 =	simm.s32 $0x0;
	[smem:$0x7FF] =	sst s3;
	s7 =	sand.u32 $0x1, s4  }
.Ltmp0:
0x7: {  	s5 =	sshll.u32 s2, $0xD;
	s4 =	sadd.s32 $0x5600, s6;
	(pc) =	sbr.rel .LBB2_1-.Ltmp0, $4  }
0x8: {  	_ =	strace $0x80000047;
	s8 =	sshll.u32 s7, $0xC;
	s9 =	ssub.s32 $0x2, s7  }
0x9: {  	s8 =	sor.u32 s8, s5;
	s5 =	sadd.s32 $0x2200, s6;
	s31 =	sshrl.u32 s9, $0x1  }
0xa: {  	s8 =	sadd.s32 s8, s6;
	s9 =	ssub.s32 s9, s31;
	s6 =	sshll.u32 s7, $0x3  }
0xb: {  	v0 =	vimm.f32 $0.0e+00;
	s7 =	sadd.s32 $0x7000, s8;
	s8 =	sadd.s32 $0x27000, s8;
	s9 =	smax.u32 s9, $0x1  }
.LBB2_9:
0xc: {  	[hbm4b:s7+s3] =	stream.linear.scatter [tilespmem:s11], [sflag:$0x1], $0x8000, $0x38;
	[tilespmem:$0x1F000] =	vst v63  }
0xd: {  	s13 =	sadd.s32 $0x1, s13;
	_ =	swait.ge [sflag:s10], $0x8000  }
0xe: {  	p0 =	sne.s32 s13, s9;
	[sflag:s10] =	ssyncset.done $0x0  }
.Ltmp1:
0xf: {  	[sflag:s10] =	ssyncadd.s32 $0xFFFF8000;
	(pc) =	sbr.rel @!p0 .LBB2_10-.Ltmp1, $4  }
0x10: {  	[hbm4b:s8+s3] =	stream.linear.scatter [tilespmem:s12], [sflag:$0x1], $0x8000, $0x38;
	[tilespmem:$0x1F000] =	vst v63  }
0x11: {  	_ =	swait.ge [sflag:s10], $0x8000  }
0x12: {  	[sflag:s10] =	ssyncset.done $0x0  }
0x13: {  	[sflag:s10] =	ssyncadd.s32 $0xFFFF8000  }
.LBB2_1:
0x14: {  	s14 =	sand.u32 $0x70, s3;
	s15 =	sand.u32 $0x7C00, s3  }
0x15: {  	s14 =	sor.u32 s14, s15  }
0x16: {  	[tilespmem:s14+$0xF300] =	vst v0  }
0x17: {  	[tilespmem:s14+$0x17280] =	vst v0  }
0x18: {  	[tilespmem:s14+$0xF280] =	vst v0  }
0x19: {  	[tilespmem:s14+$0x17200] =	vst v0  }
0x1a: {  	[tilespmem:s14+$0xF200] =	vst v0  }
0x1b: {  	[tilespmem:s14+$0x17180] =	vst v0  }
0x1c: {  	[tilespmem:s14+$0xF180] =	vst v0  }
0x1d: {  	[tilespmem:s14+$0x17100] =	vst v0  }
0x1e: {  	[tilespmem:s14+$0xF100] =	vst v0  }
0x1f: {  	s18 =	sand.u32 $0x7, s3;
	[tilespmem:s14+$0x17080] =	vst v0  }
0x20: {  	s16 =	simm.s32 $0x10;
	s17 =	simm.s32 $0x0;
	s15 =	simm.s32 $0x0;
	[tilespmem:s14+$0xF080] =	vst v0  }
.LBB2_2:
0x21: {  	p0 =	sne.s32 s16, $0xFF0;
	s18 =	sshll.u32 s18, $0x4;
	[tilespmem:s14+$0x17000] =	vst v0  }
0x22: {  	s18 =	sadd.s32 s18, s15;
	[tilespmem:s14+$0xF000] =	vst v0  }
0x23: {  	s15 =	sadd.s32 $0x80, s15;
	[tilespmem:s14+$0x17300] =	vst v0;
	s18 =	sor.u32 $0x380, s18  }
0x24: {  	s14 =	sand.u32 $0x70, s16;
	s19 =	sand.u32 $0x7C00, s15;
	[tilespmem:s18+$0x17000] =	vst v0  }
0x25: {  	s14 =	sor.u32 s14, s19;
	[tilespmem:s18+$0xF000] =	vst v0  }
0x26: {  	[tilespmem:s14+$0xF300] =	vst v0  }
0x27: {  	[tilespmem:s14+$0x17280] =	vst v0  }
0x28: {  	[tilespmem:s14+$0xF280] =	vst v0  }
0x29: {  	[tilespmem:s14+$0x17200] =	vst v0  }
0x2a: {  	[tilespmem:s14+$0xF200] =	vst v0  }
0x2b: {  	[tilespmem:s14+$0x17180] =	vst v0  }
.Ltmp2:
0x2c: {  	[tilespmem:s14+$0xF180] =	vst v0;
	(pc) =	sbr.rel @p0 .LBB2_2-.Ltmp2, $4  }
0x2d: {  	[tilespmem:s14+$0x17100] =	vst v0  }
0x2e: {  	[tilespmem:s14+$0xF100] =	vst v0  }
0x2f: {  	s17 =	sadd.s32 $0x1, s17;
	[tilespmem:s14+$0x17080] =	vst v0  }
0x30: {  	s16 =	sadd.s32 $0x10, s16;
	s18 =	sand.u32 $0x7, s17;
	[tilespmem:s14+$0xF080] =	vst v0  }
.Ltmp3:
0x31: {  	s16 =	sshll.u32 s18, $0x4;
	[tilespmem:s14+$0x17000] =	vst v0;
	(pc) =	sbr.rel .LBB2_4-.Ltmp3, $4  }
0x32: {  	[tilespmem:s14+$0xF000] =	vst v0;
	s15 =	sadd.s32 s16, s15  }
0x33: {  	[tilespmem:s14+$0x17300] =	vst v0;
	s31 =	sor.u32 $0x380, s15  }
0x34: {  	[tilespmem:s31+$0x17000] =	vst v0  }
0x35: {  	s14 =	simm.s32 $0x0;
	[tilespmem:s31+$0xF000] =	vst v0  }
.LBB2_8:
0x36: {  	s14 =	sadd.s32 $0x1, s14  }
0x37: {  	p0 =	sne.s32 s14, $0x19  }
.Ltmp4:
0x38: {  	_ = 	snop;
	(pc) =	sbr.rel @!p0 .LBB2_9-.Ltmp4, $1  }
0x39: {  	_ =	sdelay $0x3  }
.LBB2_4:
0x3a: {  	s15 =	sshll.u32 s14, $0x4  }
0x3b: {  	s15 =	sor.u32 s2, s15  }
0x3c: {  	p0 =	sgt.u32 s15, $0x185  }
.Ltmp5:
0x3d: {  	_ = 	snop;
	(pc) =	sbr.rel @p0 .LBB2_8-.Ltmp5, $1  }
0x3e: {  	_ =	sdelay $0x3  }
0x3f: {  	s16 =	smul.u32 $0x8889, s15;
	_ =	sdelay $0x1  }
0x40: {  	s16 =	sshrl.u32 s16, $0x13  }
0x41: {  	s17 =	smul.u32 $0xF, s16;
	_ =	sdelay $0x1  }
0x42: {  	s15 =	ssub.s32 s15, s17  }
0x43: {  	s17 =	sand.u32 $0xFFFF, s15  }
0x44: {  	p0 =	sgt.u32 s17, $0xC  }
0x45: {  	s15 =	sand.u32 @p0 $0xFFFF, s15  }
0x46: {  	s18 =	sshll.u32 s16, $0x4;
	p2 =	sne.s32 @p0 s15, $0xD  }
0x47: {  	s15 =	sor.u32 s6, s18;
	p1 =	por !p2, !p0  }
0x48: {  	s18 =	sshll.u32 @!p1 s15, $0x4  }
0x49: {  	p2 =	por p2, !p0;
	s19 =	simm.s32 @!p1 $0x0;
	s18 =	sadd.s32 @!p1 s4, s18  }
0x4a: {  	[tilespmem:s19], [sflag:$0x1] =	stream.linear.gather @!p1 [hbm4b:s18+s19], $0x400, $0x38;
	[tilespmem:$0x1F000] =	vst v63  }
0x4b: {  	s18 =	sshrl.u32 @!p2 s15, $0x3  }
0x4c: {  	s18 =	smul.u32 @!p2 $0xC3800, s18  }
0x4d: {  	s19 =	simm.s32 @!p1 $0x1  }
0x4e: {  	s15 =	sshrl.u32 @!p0 s15, $0x3;
	_ =	swait.ge @!p1 [sflag:s19], $0x400;
	s18 =	sshrl.u32 @!p2 s18, $0x3  }
0x4f: {  	s15 =	smul.u32 @!p0 $0xC3800, s15;
	[sflag:s19] =	ssyncset.done @!p1 $0x0;
	s18 =	sadd.s32 @!p2 s1, s18  }
0x50: {  	[sflag:s19] =	ssyncadd.s32 @!p1 $0xFFFFFC00;
	s19 =	simm.s32 @!p2 $0x0;
	s18 =	sadd.s32 @!p2 $0x16C00, s18  }
0x51: {  	[tilespmem:s19], [sflag:$0x1] =	stream.linear.gather @!p2 [hbm4b:s18+s19], $0xD400, $0x38;
	[tilespmem:$0x1F000] =	vst v63  }
0x52: {  	s18 =	smul.u32 @!p0 $0xE000, s17  }
0x53: {  	s19 =	simm.s32 @!p2 $0x1  }
0x54: {  	_ =	swait.ge @!p2 [sflag:s19], $0xD400;
	s15 =	sadd.s32 @!p0 s18, s15  }
0x55: {  	[sflag:s19] =	ssyncset.done @!p2 $0x0;
	s15 =	sshrl.u32 @!p0 s15, $0x3  }
0x56: {  	s18 =	simm.s32 @!p0 $0x0;
	[sflag:s19] =	ssyncadd.s32 @!p2 $0xFFFF2C00;
	s15 =	sadd.s32 @!p0 s1, s15  }
0x57: {  	[tilespmem:s18], [sflag:$0x1] =	stream.linear.gather @!p0 [hbm4b:s15+s18], $0xE000, $0x38;
	[tilespmem:$0x1F000] =	vst v63  }
0x58: {  	s15 =	simm.s32 @!p0 $0x1  }
0x59: {  	_ =	swait.ge @!p0 [sflag:s15], $0xE000  }
0x5a: {  	s26 =	sshll.u32 s16, $0x9;
	s16 =	simm.s32 $0xE000;
	[sflag:s15] =	ssyncset.done @!p0 $0x0  }
0x5b: {  	s28 =	sadd.s32 s5, s26;
	[sflag:s15] =	ssyncadd.s32 @!p0 $0xFFFF2000;
	s15 =	simm.s32 $0x0  }
0x5c: {  	[tilespmem:s16], [sflag:$0x1] =	stream.linear.gather [hbm4b:s28+s15], $0x1000, $0x38;
	[tilespmem:$0x1F000] =	vst v63  }
0x5d: {  	_ =	swait.ge [sflag:s10], $0x1000  }
0x5e: {  	[sflag:s10] =	ssyncset.done $0x0  }
0x5f: {  	[sflag:s10] =	ssyncadd.s32 $0xFFFFF000  }
0x60: {  	s18 =	smul.u32 @!p2 $0xFFFFE400, s17;
	v3 =	vld [tilespmem:s16+$0x0]  }
0x61: {  	s17 =	smul.u32 @!p0 $0xFFFFE400, s17  }
0x62: {  	s19 =	simm.s32 @!p1 $0x20;
	s18 =	simm.s32 @!p1 $0xFFFE7980  }
0x63: {  	s19 =	simm.s32 @p1 $0x1A80;
	s17 =	smov.u32 @p0 s18  }
0x64: {  	s19 =	simm.s32 @!p0 $0x1C00;
	v1 =	vmov s17  }
0x65: {  	v2 =	vmov s19;
	v3 =	vadd.s32 v1, v3  }
0x66: {  	vm0 =	vgt.s32 v3, $0xFFFFFFFF;
	vm1 =	vlt.s32 v3, v2  }
0x67: {  	vm0 =	vmand vm0, vm1  }
0x68: {  	v3 =	vnsel vm0, $0x0, v3  }
0x69: {  	v4 =	vshll.u32 v3, $0x3  }
0x6a: {  	v3 =	vand.u32 $0x7F, v3;
	v4 =	vand.u32 $0xFFFFFC00, v4  }
0x6b: {  	v3 =	vor.u32 v3, v4;
	_ =	sdelay $0x4  }
0x6c: {  	v4 =	vld.idx.msk [tilespmem:v3+s3+$0x0], $0xffff;
	_ =	sdelay $0x3  }
0x6d: {  	v5 =	vor.u32 $0x80, v3  }
0x6e: {  	s29 =	sand.u32 $0x70, s15;
	s30 =	sand.u32 $0x7C00, s15;
	v4 =	vnsel vm0, $0x0, v4  }
0x6f: {  	s17 =	sor.u32 s29, s30;
	v6 =	vmul.f32 v4, v4  }
0x70: {  	[tilespmem:s17+$0xF000] =	vst.add.f32.msk $0xffff, v4  }
0x71: {  	[tilespmem:s17+$0x17000] =	vst.add.f32.msk $0xffff, v6  }
0x72: {  	v4 =	vld.idx.msk [tilespmem:v5+s3+$0x0], $0xffff;
	_ =	sdelay $0x3  }
0x73: {  	v5 =	vor.u32 $0x100, v3  }
0x74: {  	v4 =	vnsel vm0, $0x0, v4  }
0x75: {  	v59 =	vmul.f32 v4, v4  }
0x76: {  	[tilespmem:s17+$0xF080] =	vst.add.f32.msk $0xffff, v4  }
0x77: {  	[tilespmem:s17+$0x17080] =	vst.add.f32.msk $0xffff, v59  }
0x78: {  	v4 =	vld.idx.msk [tilespmem:v5+s3+$0x0], $0xffff;
	_ =	sdelay $0x3  }
0x79: {  	v5 =	vor.u32 $0x180, v3  }
0x7a: {  	v4 =	vnsel vm0, $0x0, v4  }
0x7b: {  	v60 =	vmul.f32 v4, v4  }
0x7c: {  	[tilespmem:s17+$0xF100] =	vst.add.f32.msk $0xffff, v4  }
0x7d: {  	[tilespmem:s17+$0x17100] =	vst.add.f32.msk $0xffff, v60  }
0x7e: {  	v4 =	vld.idx.msk [tilespmem:v5+s3+$0x0], $0xffff;
	_ =	sdelay $0x3  }
0x7f: {  	v5 =	vor.u32 $0x200, v3  }
0x80: {  	v4 =	vnsel vm0, $0x0, v4  }
0x81: {  	v61 =	vmul.f32 v4, v4  }
0x82: {  	[tilespmem:s17+$0xF180] =	vst.add.f32.msk $0xffff, v4  }
0x83: {  	[tilespmem:s17+$0x17180] =	vst.add.f32.msk $0xffff, v61  }
0x84: {  	v4 =	vld.idx.msk [tilespmem:v5+s3+$0x0], $0xffff;
	_ =	sdelay $0x3  }
0x85: {  	v5 =	vor.u32 $0x280, v3  }
0x86: {  	v4 =	vnsel vm0, $0x0, v4  }
0x87: {  	v62 =	vmul.f32 v4, v4  }
0x88: {  	[tilespmem:s17+$0xF200] =	vst.add.f32.msk $0xffff, v4  }
0x89: {  	[tilespmem:s17+$0x17200] =	vst.add.f32.msk $0xffff, v62  }
0x8a: {  	v4 =	vld.idx.msk [tilespmem:v5+s3+$0x0], $0xffff;
	_ =	sdelay $0x3  }
0x8b: {  	v5 =	vor.u32 $0x300, v3  }
0x8c: {  	v4 =	vnsel vm0, $0x0, v4  }
0x8d: {  	v63 =	vmul.f32 v4, v4  }
0x8e: {  	[tilespmem:s17+$0xF280] =	vst.add.f32.msk $0xffff, v4  }
0x8f: {  	[tilespmem:s17+$0x17280] =	vst.add.f32.msk $0xffff, v63  }
0x90: {  	v4 =	vld.idx.msk [tilespmem:v5+s3+$0x0], $0xffff;
	_ =	sdelay $0x3  }
0x91: {  	v3 =	vor.u32 $0x380, v3  }
0x92: {  	v4 =	vnsel vm0, $0x0, v4  }
0x93: {  	v5 =	vmul.f32 v4, v4  }
0x94: {  	[tilespmem:s17+$0xF300] =	vst.add.f32.msk $0xffff, v4  }
0x95: {  	[tilespmem:s17+$0x17300] =	vst.add.f32.msk $0xffff, v5  }
0x96: {  	v3 =	vld.idx.msk [tilespmem:v3+s3+$0x0], $0xffff;
	_ =	sdelay $0x1  }
0x97: {  	s31 =	sand.u32 $0x7, s15  }
0x98: {  	s17 =	sshll.u32 s31, $0x4  }
0x99: {  	s17 =	sadd.s32 $0x0, s17  }
0x9a: {  	s19 =	sor.u32 $0x380, s17;
	v3 =	vnsel vm0, $0x0, v3  }
0x9b: {  	s18 =	simm.s32 $0x0;
	s17 =	simm.s32 $0x10;
	[tilespmem:s19+$0xF000] =	vst.add.f32.msk $0xffff, v3;
	v3 =	vmul.f32 v3, v3  }
.LBB2_6:
0x9c: {  	_ = 	snop  }
0x9d: {  	s15 =	sadd.s32 $0x80, s15;
	s18 =	sadd.s32 $0x1, s18;
	s16 =	sadd.s32 $0x10, s16;
	[tilespmem:s19+$0x17000] =	vst.add.f32.msk $0xffff, v3  }
0x9e: {  	p0 =	sne.s32 s17, $0xFF0;
	s19 =	smov.u32 s17;
	s17 =	sadd.s32 $0x10, s17;
	v3 =	vld [tilespmem:s16+$0x0]  }
0x9f: {  	_ =	sdelay $0x3  }
0xa0: {  	v3 =	vadd.s32 v1, v3  }
0xa1: {  	vm0 =	vgt.s32 v3, $0xFFFFFFFF;
	vm1 =	vlt.s32 v3, v2  }
0xa2: {  	vm0 =	vmand vm0, vm1  }
0xa3: {  	v3 =	vnsel vm0, $0x0, v3  }
0xa4: {  	v4 =	vshll.u32 v3, $0x3  }
0xa5: {  	v3 =	vand.u32 $0x7F, v3;
	v4 =	vand.u32 $0xFFFFFC00, v4  }
0xa6: {  	v3 =	vor.u32 v3, v4;
	_ =	sdelay $0x4  }
0xa7: {  	v4 =	vld.idx.msk [tilespmem:v3+s3+$0x0], $0xffff;
	_ =	sdelay $0x4  }
0xa8: {  	v5 =	vor.u32 $0x80, v3  }
0xa9: {  	s20 =	sand.u32 $0x7C00, s15;
	s19 =	sand.u32 $0x70, s19;
	v4 =	vnsel vm0, $0x0, v4  }
0xaa: {  	s19 =	sor.u32 s19, s20;
	v6 =	vmul.f32 v4, v4  }
0xab: {  	[tilespmem:s19+$0xF000] =	vst.add.f32.msk $0xffff, v4  }
0xac: {  	[tilespmem:s19+$0x17000] =	vst.add.f32.msk $0xffff, v6  }
0xad: {  	v4 =	vld.idx.msk [tilespmem:v5+s3+$0x0], $0xffff;
	_ =	sdelay $0x4  }
0xae: {  	v5 =	vor.u32 $0x100, v3  }
0xaf: {  	v4 =	vnsel vm0, $0x0, v4  }
0xb0: {  	v6 =	vmul.f32 v4, v4  }
0xb1: {  	[tilespmem:s19+$0xF080] =	vst.add.f32.msk $0xffff, v4  }
0xb2: {  	[tilespmem:s19+$0x17080] =	vst.add.f32.msk $0xffff, v6  }
0xb3: {  	v4 =	vld.idx.msk [tilespmem:v5+s3+$0x0], $0xffff;
	_ =	sdelay $0x4  }
0xb4: {  	v5 =	vor.u32 $0x180, v3  }
0xb5: {  	v4 =	vnsel vm0, $0x0, v4  }
0xb6: {  	v6 =	vmul.f32 v4, v4  }
0xb7: {  	[tilespmem:s19+$0xF100] =	vst.add.f32.msk $0xffff, v4  }
0xb8: {  	[tilespmem:s19+$0x17100] =	vst.add.f32.msk $0xffff, v6  }
0xb9: {  	v4 =	vld.idx.msk [tilespmem:v5+s3+$0x0], $0xffff;
	_ =	sdelay $0x4  }
0xba: {  	v5 =	vor.u32 $0x200, v3  }
0xbb: {  	v4 =	vnsel vm0, $0x0, v4  }
0xbc: {  	[tilespmem:s19+$0xF180] =	vst.add.f32.msk $0xffff, v4;
	v4 =	vmul.f32 v4, v4;
	_ =	sdelay $0x1  }
0xbd: {  	[tilespmem:s19+$0x17180] =	vst.add.f32.msk $0xffff, v4  }
0xbe: {  	v4 =	vld.idx.msk [tilespmem:v5+s3+$0x0], $0xffff;
	_ =	sdelay $0x4  }
0xbf: {  	v5 =	vor.u32 $0x280, v3  }
0xc0: {  	v4 =	vnsel vm0, $0x0, v4  }
0xc1: {  	[tilespmem:s19+$0xF200] =	vst.add.f32.msk $0xffff, v4;
	v4 =	vmul.f32 v4, v4;
	_ =	sdelay $0x1  }
0xc2: {  	[tilespmem:s19+$0x17200] =	vst.add.f32.msk $0xffff, v4  }
0xc3: {  	v4 =	vld.idx.msk [tilespmem:v5+s3+$0x0], $0xffff;
	_ =	sdelay $0x4  }
0xc4: {  	v5 =	vor.u32 $0x300, v3  }
0xc5: {  	v4 =	vnsel vm0, $0x0, v4  }
0xc6: {  	[tilespmem:s19+$0xF280] =	vst.add.f32.msk $0xffff, v4;
	v4 =	vmul.f32 v4, v4;
	_ =	sdelay $0x1  }
0xc7: {  	[tilespmem:s19+$0x17280] =	vst.add.f32.msk $0xffff, v4  }
0xc8: {  	v4 =	vld.idx.msk [tilespmem:v5+s3+$0x0], $0xffff;
	_ =	sdelay $0x4  }
0xc9: {  	v3 =	vor.u32 $0x380, v3  }
0xca: {  	v4 =	vnsel vm0, $0x0, v4  }
0xcb: {  	[tilespmem:s19+$0xF300] =	vst.add.f32.msk $0xffff, v4;
	v4 =	vmul.f32 v4, v4;
	_ =	sdelay $0x1  }
0xcc: {  	[tilespmem:s19+$0x17300] =	vst.add.f32.msk $0xffff, v4  }
0xcd: {  	v3 =	vld.idx.msk [tilespmem:v3+s3+$0x0], $0xffff;
	_ =	sdelay $0x2  }
.Ltmp6:
0xce: {  	s19 =	sand.u32 $0x7, s18;
	(pc) =	sbr.rel @p0 .LBB2_6-.Ltmp6, $4  }
0xcf: {  	s19 =	sshll.u32 s19, $0x4  }
0xd0: {  	s19 =	sadd.s32 s19, s15  }
0xd1: {  	s19 =	sor.u32 $0x380, s19;
	v3 =	vnsel vm0, $0x0, v3  }
0xd2: {  	[tilespmem:s19+$0xF000] =	vst.add.f32.msk $0xffff, v3;
	v3 =	vmul.f32 v3, v3  }
.Ltmp7:
0xd3: {  	(pc) =	sbr.rel .LBB2_8-.Ltmp7, $2  }
0xd4: {  	_ =	sdelay $0x2  }
0xd5: {  	[tilespmem:s19+$0x17000] =	vst.add.f32.msk $0xffff, v3  }
.LBB2_10:
0xd6: {  	_ =	sfence.sel $0x180000  }
0xd7: {  	[bflag:$0x0] =	sbarrier.arrive $0xFFFF  }
0xd8: {  	p0 =	sne.s32 s2, $0x0;
	_ =	strace $0x90000047  }
0xd9: {  	s0 =	sadd.s32 @!p0 $0x100000, s0;
	[bflag:$0x2] =	sbarrier.arrive $0xFFFF  }
0xda: {  	[sflag:s0] =	ssyncadd.tile.s32 @!p0 $0x1;
	_ =	shalt  }
.Lfunc_end2:
_tile_overlayer_lowered:
.L_overlay_start_2:
0xdb: {  	(tag) =	ssettag $0x2  }
0xdc: {  	s0 =	rddreg [dreg:$0x0];
	s2 =	stileid.u32  }
0xdd: {  	s1 =	rddreg [dreg:$0x1];
	p0 =	sne.s32 s2, $0x0  }
0xde: {  	s3 =	rddreg [dreg:$0x2];
	[bflag:$0x3] =	sbarrier.arrive $0xFFFF;
	s2 =	simm.s32 @!p0 $0x1C01  }
0xdf: {  	[timem:s3], [sflag:s2] =	dma.local @!p0 [hbm:s0], s1  }
0xe0: {  	s0 =	simm.s32 @!p0 $0x1  }
0xe1: {  	_ =	swait.ge @!p0 [sflag:s0], s1  }
0xe2: {  	s1 =	ssub.s32 @!p0 $0x0, s1;
	[sflag:s0] =	ssyncset.done @!p0 $0x0  }
0xe3: {  	[sflag:s0] =	ssyncadd.s32 @!p0 s1  }
0xe4: {  	[bflag:$0x3] =	sbarrier.arrive $0xFFFF  }
0xe5: {  	_ =	shalt  }

</sc_bundles>
